<compile_context>
chip_gen: v7x
topology: tpu7x:2x2x1
jax: 0.10.2.dev20260603
libtpu: 0.0.44.dev20260713+nightly
codegen_flags: <defaults>
</compile_context>

<pallas_src>
import functools

import jax
import jax.numpy as jnp
from jax import lax
from jax.experimental import pallas as pl
from jax.experimental.pallas import tpu as pltpu
from jax.experimental.pallas import tpu_sc as plsc

_N_CODES = 8192
_D = 256
_BT = 1024
_BC = 256


def _dist_argmin_body(a_ref, x_ref, t_ref, c_ref, ci_ref, idx_ref):
    xb = (2.0 * x_ref[...]).astype(jnp.bfloat16)
    a = a_ref[...]
    n_chunks = _N_CODES // _BC

    def dist_at(base):
        tb = t_ref[pl.ds(base, _BC), :]
        prod = lax.dot_general(
            xb, tb, (((1,), (1,)), ((), ())),
            preferred_element_type=jnp.float32,
        )
        return (a - prod) + c_ref[:, pl.ds(base, _BC)]

    def merged_pair(base):
        d0 = dist_at(base)
        d1 = dist_at(base + _BC)
        i0 = jnp.broadcast_to(ci_ref[:, pl.ds(base, _BC)], (_BT, _BC))
        i1 = jnp.broadcast_to(ci_ref[:, pl.ds(base + _BC, _BC)],
                              (_BT, _BC))
        m = d1 < d0
        return jnp.where(m, d1, d0), jnp.where(m, i1, i0)

    def merged_quad(base):
        d0, i0 = merged_pair(base)
        d1, i1 = merged_pair(base + 2 * _BC)
        m = d1 < d0
        return jnp.where(m, d1, d0), jnp.where(m, i1, i0)

    def merged_oct(base):
        d0, i0 = merged_quad(base)
        d1, i1 = merged_quad(base + 4 * _BC)
        m = d1 < d0
        return jnp.where(m, d1, d0), jnp.where(m, i1, i0)

    def merge(a0, a1):
        (d0, i0), (d1, i1) = a0, a1
        m = d1 < d0
        return jnp.where(m, d1, d0), jnp.where(m, i1, i0)

    level = [merged_oct(k * 8 * _BC) for k in range(n_chunks // 8)]
    while len(level) > 1:
        level = [merge(level[k], level[k + 1])
                 for k in range(0, len(level), 2)]
    best, bidx = level[0]
    gmin = jnp.min(best, axis=1, keepdims=True)
    cand = jnp.where(best == gmin, bidx, jnp.float32(_N_CODES))
    idx_ref[...] = jnp.min(cand, axis=1).reshape(_BT, 1).astype(jnp.int32)


def _argmin_codes(x2d, templat, a, c):
    n_tok = x2d.shape[0]
    tb16 = templat.astype(jnp.bfloat16)
    ci = lax.iota(jnp.float32, _N_CODES)[None, :]
    grid = (n_tok // _BT,)
    return pl.pallas_call(
        _dist_argmin_body,
        grid=grid,
        in_specs=[
            pl.BlockSpec((_BT, 1), lambda i: (i, 0)),
            pl.BlockSpec((_BT, _D), lambda i: (i, 0)),
            pl.BlockSpec((_N_CODES, _D), lambda i: (0, 0)),
            pl.BlockSpec((1, _N_CODES), lambda i: (0, 0)),
            pl.BlockSpec((1, _N_CODES), lambda i: (0, 0)),
        ],
        out_specs=pl.BlockSpec((_BT, 1), lambda i: (i, 0)),
        out_shape=jax.ShapeDtypeStruct((n_tok, 1), jnp.int32),
    )(a, x2d, tb16, c, ci)


def _sc_gather(templat, zidx_flat):
    n_tok = zidx_flat.shape[0]
    info = plsc.get_sparse_core_info()
    nw = info.num_cores * info.num_subcores
    b_per_w = n_tok // nw
    chunk = 128
    n_rounds = b_per_w // chunk
    mesh = plsc.VectorSubcoreMesh(core_axis_name="c", subcore_axis_name="s")

    @functools.partial(
        pl.kernel, mesh=mesh,
        out_type=jax.ShapeDtypeStruct((n_tok, _D), jnp.float32),
        scratch_types=[
            pltpu.VMEM((b_per_w,), jnp.int32),
            pltpu.VMEM((chunk, _D), jnp.float32),
            pltpu.VMEM((chunk, _D), jnp.float32),
            pltpu.SemaphoreType.DMA,
            pltpu.SemaphoreType.DMA,
        ],
    )
    def gather(table_hbm, idx_hbm, out_hbm, idx_v, rows_a, rows_b, sem_a,
               sem_b):
        wid = lax.axis_index("s") * info.num_cores + lax.axis_index("c")
        base = wid * b_per_w
        pltpu.sync_copy(idx_hbm.at[pl.ds(base, b_per_w)], idx_v)
        bufs = ((rows_a, sem_a), (rows_b, sem_b))

        def issue(r):
            buf, sem = bufs[r % 2]
            return pltpu.async_copy(
                table_hbm.at[idx_v.at[pl.ds(r * chunk, chunk)]], buf, sem)

        def drain(r, cp):
            cp.wait()
            pltpu.sync_copy(bufs[r % 2][0],
                            out_hbm.at[pl.ds(base + r * chunk, chunk)])

        cps = [issue(0)]
        for r in range(1, n_rounds):
            cps.append(issue(r))
            drain(r - 1, cps[r - 1])
        drain(n_rounds - 1, cps[-1])

    return gather(templat, zidx_flat)


def kernel(input, templat):
    x2d = input.reshape(-1, _D)
    a = jnp.sum(x2d * x2d, axis=-1, keepdims=True)
    c = jnp.sum(templat * templat, axis=-1)[None, :]
    zidx2d = _argmin_codes(x2d, templat, a, c)
    zidx = zidx2d.reshape(input.shape[0], input.shape[1])
    quant2d = _sc_gather(templat, zidx2d.reshape(-1))
    quant = quant2d.reshape(input.shape[0], input.shape[1], _D)
    return (quant, zidx)

# --- scband reference (transcript-rebuilt; emitter-appended) ---
"""Pipeline reference for scband-meta-slot-20890720928570 (READ-ONLY COPY).

The authoritative reference and input builder live on the scoring server;
editing this copy changes nothing except your own understanding.
"""

import jax, jax.numpy as jnp
import numpy as np

NUM_EMBED = 8192
EMBED_DIM = 256

def setup_inputs(seed: int = 0) -> dict:
    key = jax.random.key(seed)
    k1, k2 = jax.random.split(key)
    x = jax.random.normal(k1, (16, 1024, EMBED_DIM), dtype=jnp.float32)
    n = NUM_EMBED
    templat = jax.random.uniform(k2, (NUM_EMBED, EMBED_DIM), dtype=jnp.float32, minval=-1.0 / n, maxval=1.0 / n)
    return {"input": x, "templat": templat}

def reference(input, templat):
    # eval-mode forward: match(input, sample=False) then select(zidx)
    # detach='encode' -> stop_gradient on encode
    encode = jax.lax.stop_gradient(input)
    # l2 metric: dist = |e|^2 - 2 e @ t^T + |t|^2
    dist = (jnp.sum(encode * encode, axis=-1, keepdims=True)
            - 2.0 * jnp.einsum('bnc,mc->bnm', encode, templat)
            + jnp.sum(templat * templat, axis=-1)[None, None, :])
    logits = -dist
    tau = 1.0
    zsoft = jax.nn.softmax(logits / tau, axis=-1)
    zidx = jnp.argmax(zsoft, axis=-1)
    quant = jnp.take(templat, zidx, axis=0)
    return (quant, zidx)

if __name__ == "__main__":
    import jax
    _d = setup_inputs()
    print(jax.jit(kernel)(*tuple(_d.values())))

</pallas_src>

<mosaic_0001>
#map = affine_map<(d0, d1) -> (0, 0)>
#map1 = affine_map<(d0, d1) -> (0)>
module attributes {stable_mosaic.version = 14 : i64} {
  func.func @gather(%arg0: i32, %arg1: i32, %arg2: memref<8192x256xf32, #tpu.memory_space<hbm>>, %arg3: memref<16384xi32, #tpu.memory_space<hbm>>, %arg4: memref<16384x256xf32, #tpu.memory_space<hbm>>, %arg5: memref<512xi32, #tpu.memory_space<vmem>>, %arg6: memref<128x256xf32, #tpu.memory_space<vmem>>, %arg7: memref<128x256xf32, #tpu.memory_space<vmem>>, %arg8: memref<!tpu.dma_semaphore, #tpu.memory_space<semaphore_mem>>, %arg9: memref<!tpu.dma_semaphore, #tpu.memory_space<semaphore_mem>>) attributes {dimension_semantics = [#tpu.dimension_semantics<core_parallel>, #tpu.dimension_semantics<subcore_parallel>], iteration_bounds = array<i64: 2, 16>, scalar_prefetch = 0 : i64, scratch_operands = 5 : i64, tpu.core_type = #tpu.core_type<sc_vector_subcore>, window_params = [{transform_indices = #map}, {transform_indices = #map1}, {transform_indices = #map}]} {
    %mul3A = arith.constant 2 : i32
    %mul3A_0 = arith.muli %arg1, %mul3A : i32
    %add3A = arith.addi %mul3A_0, %arg0 : i32
    %mul3A_1 = arith.constant 512 : i32
    %mul3A_2 = arith.muli %add3A, %mul3A_1 : i32
    "tpu.region"() ({
      %run_scoped3A = tpu.sem_alloc : memref<!tpu.dma_semaphore, #tpu.memory_space<semaphore_mem>>
      %dma_start3A_49 = tpu.memref_slice %arg3[%mul3A_2] : memref<16384xi32, #tpu.memory_space<hbm>> -> memref<512xi32, #tpu.memory_space<hbm>>
      %dma_start3A_50 = tpu.memref_slice %arg3[%mul3A_2] : memref<16384xi32, #tpu.memory_space<hbm>> -> memref<512xi32, #tpu.memory_space<hbm>>
      tpu.enqueue_dma source(%dma_start3A_50 : memref<512xi32, #tpu.memory_space<hbm>>) target(%arg5 : memref<512xi32, #tpu.memory_space<vmem>>) target_semaphore(%run_scoped3A : memref<!tpu.dma_semaphore, #tpu.memory_space<semaphore_mem>>)
      %dma_wait3A_51 = tpu.memref_slice %arg3[%mul3A_2] : memref<16384xi32, #tpu.memory_space<hbm>> -> memref<512xi32, #tpu.memory_space<hbm>>
      %dma_wait3A_52 = tpu.memref_slice %arg3[%mul3A_2] : memref<16384xi32, #tpu.memory_space<hbm>> -> memref<512xi32, #tpu.memory_space<hbm>>
      tpu.wait_dma2 semaphore(%run_scoped3A : memref<!tpu.dma_semaphore, #tpu.memory_space<semaphore_mem>>) src(%dma_wait3A_52 : memref<512xi32, #tpu.memory_space<hbm>>) dst(%arg5 : memref<512xi32, #tpu.memory_space<vmem>>)
      tpu.yield
    }) : () -> ()
    %dma_start3A = arith.constant 0 : i32
    %dma_start3A_3 = tpu.memref_slice %arg5[%dma_start3A] : memref<512xi32, #tpu.memory_space<vmem>> -> memref<128xi32, #tpu.memory_space<vmem>>
    %dma_start3A_4 = arith.constant 0 : i32
    %dma_start3A_5 = arith.constant 0 : i32
    %dma_start3A_6 = tpu.memref_slice %arg2[%dma_start3A_4, %dma_start3A_5] : memref<8192x256xf32, #tpu.memory_space<hbm>> -> memref<8192x256xf32, #tpu.memory_space<hbm>>
    tpu.enqueue_indirect_dma source(%dma_start3A_6 : memref<8192x256xf32, #tpu.memory_space<hbm>>) target(%arg6 : memref<128x256xf32, #tpu.memory_space<vmem>>) offsets(%dma_start3A_3 : memref<128xi32, #tpu.memory_space<vmem>>) semaphore(%arg8 : memref<!tpu.dma_semaphore, #tpu.memory_space<semaphore_mem>>)
    %dma_start3A_7 = arith.constant 128 : i32
    %dma_start3A_8 = tpu.memref_slice %arg5[%dma_start3A_7] : memref<512xi32, #tpu.memory_space<vmem>> -> memref<128xi32, #tpu.memory_space<vmem>>
    %dma_start3A_9 = arith.constant 0 : i32
    %dma_start3A_10 = arith.constant 0 : i32
    %dma_start3A_11 = tpu.memref_slice %arg2[%dma_start3A_9, %dma_start3A_10] : memref<8192x256xf32, #tpu.memory_space<hbm>> -> memref<8192x256xf32, #tpu.memory_space<hbm>>
    tpu.enqueue_indirect_dma source(%dma_start3A_11 : memref<8192x256xf32, #tpu.memory_space<hbm>>) target(%arg7 : memref<128x256xf32, #tpu.memory_space<vmem>>) offsets(%dma_start3A_8 : memref<128xi32, #tpu.memory_space<vmem>>) semaphore(%arg9 : memref<!tpu.dma_semaphore, #tpu.memory_space<semaphore_mem>>)
    %dma_wait3A = arith.constant 0 : i32
    %dma_wait3A_12 = tpu.memref_slice %arg5[%dma_wait3A] : memref<512xi32, #tpu.memory_space<vmem>> -> memref<128xi32, #tpu.memory_space<vmem>>
    %dma_wait3A_13 = arith.constant 0 : i32
    %dma_wait3A_14 = arith.constant 0 : i32
    %dma_wait3A_15 = tpu.memref_slice %arg2[%dma_wait3A_13, %dma_wait3A_14] : memref<8192x256xf32, #tpu.memory_space<hbm>> -> memref<8192x256xf32, #tpu.memory_space<hbm>>
    tpu.wait_indirect_dma semaphore(%arg8 : memref<!tpu.dma_semaphore, #tpu.memory_space<semaphore_mem>>) src(%dma_wait3A_15 : memref<8192x256xf32, #tpu.memory_space<hbm>>) dst(%arg6 : memref<128x256xf32, #tpu.memory_space<vmem>>)
    %add3A_16 = arith.constant 0 : i32
    %add3A_17 = arith.addi %mul3A_2, %add3A_16 : i32
    "tpu.region"() ({
      %run_scoped3A = tpu.sem_alloc : memref<!tpu.dma_semaphore, #tpu.memory_space<semaphore_mem>>
      %dma_start3A_49 = arith.constant 0 : i32
      %dma_start3A_50 = tpu.memref_slice %arg4[%add3A_17, %dma_start3A_49] : memref<16384x256xf32, #tpu.memory_space<hbm>> -> memref<128x256xf32, #tpu.memory_space<hbm>>
      %dma_start3A_51 = arith.constant 0 : i32
      %dma_start3A_52 = tpu.memref_slice %arg4[%add3A_17, %dma_start3A_51] : memref<16384x256xf32, #tpu.memory_space<hbm>> -> memref<128x256xf32, #tpu.memory_space<hbm>>
      tpu.enqueue_dma source(%arg6 : memref<128x256xf32, #tpu.memory_space<vmem>>) target(%dma_start3A_52 : memref<128x256xf32, #tpu.memory_space<hbm>>) target_semaphore(%run_scoped3A : memref<!tpu.dma_semaphore, #tpu.memory_space<semaphore_mem>>)
      %dma_wait3A_53 = arith.constant 0 : i32
      %dma_wait3A_54 = tpu.memref_slice %arg4[%add3A_17, %dma_wait3A_53] : memref<16384x256xf32, #tpu.memory_space<hbm>> -> memref<128x256xf32, #tpu.memory_space<hbm>>
      %dma_wait3A_55 = arith.constant 0 : i32
      %dma_wait3A_56 = tpu.memref_slice %arg4[%add3A_17, %dma_wait3A_55] : memref<16384x256xf32, #tpu.memory_space<hbm>> -> memref<128x256xf32, #tpu.memory_space<hbm>>
      tpu.wait_dma2 semaphore(%run_scoped3A : memref<!tpu.dma_semaphore, #tpu.memory_space<semaphore_mem>>) src(%arg6 : memref<128x256xf32, #tpu.memory_space<vmem>>) dst(%dma_wait3A_56 : memref<128x256xf32, #tpu.memory_space<hbm>>)
      tpu.yield
    }) : () -> ()
    %dma_start3A_18 = arith.constant 256 : i32
    %dma_start3A_19 = tpu.memref_slice %arg5[%dma_start3A_18] : memref<512xi32, #tpu.memory_space<vmem>> -> memref<128xi32, #tpu.memory_space<vmem>>
    %dma_start3A_20 = arith.constant 0 : i32
    %dma_start3A_21 = arith.constant 0 : i32
    %dma_start3A_22 = tpu.memref_slice %arg2[%dma_start3A_20, %dma_start3A_21] : memref<8192x256xf32, #tpu.memory_space<hbm>> -> memref<8192x256xf32, #tpu.memory_space<hbm>>
    tpu.enqueue_indirect_dma source(%dma_start3A_22 : memref<8192x256xf32, #tpu.memory_space<hbm>>) target(%arg6 : memref<128x256xf32, #tpu.memory_space<vmem>>) offsets(%dma_start3A_19 : memref<128xi32, #tpu.memory_space<vmem>>) semaphore(%arg8 : memref<!tpu.dma_semaphore, #tpu.memory_space<semaphore_mem>>)
    %dma_wait3A_23 = arith.constant 128 : i32
    %dma_wait3A_24 = tpu.memref_slice %arg5[%dma_wait3A_23] : memref<512xi32, #tpu.memory_space<vmem>> -> memref<128xi32, #tpu.memory_space<vmem>>
    %dma_wait3A_25 = arith.constant 0 : i32
    %dma_wait3A_26 = arith.constant 0 : i32
    %dma_wait3A_27 = tpu.memref_slice %arg2[%dma_wait3A_25, %dma_wait3A_26] : memref<8192x256xf32, #tpu.memory_space<hbm>> -> memref<8192x256xf32, #tpu.memory_space<hbm>>
    tpu.wait_indirect_dma semaphore(%arg9 : memref<!tpu.dma_semaphore, #tpu.memory_space<semaphore_mem>>) src(%dma_wait3A_27 : memref<8192x256xf32, #tpu.memory_space<hbm>>) dst(%arg7 : memref<128x256xf32, #tpu.memory_space<vmem>>)
    %add3A_28 = arith.constant 128 : i32
    %add3A_29 = arith.addi %mul3A_2, %add3A_28 : i32
    "tpu.region"() ({
      %run_scoped3A = tpu.sem_alloc : memref<!tpu.dma_semaphore, #tpu.memory_space<semaphore_mem>>
      %dma_start3A_49 = arith.constant 0 : i32
      %dma_start3A_50 = tpu.memref_slice %arg4[%add3A_29, %dma_start3A_49] : memref<16384x256xf32, #tpu.memory_space<hbm>> -> memref<128x256xf32, #tpu.memory_space<hbm>>
      %dma_start3A_51 = arith.constant 0 : i32
      %dma_start3A_52 = tpu.memref_slice %arg4[%add3A_29, %dma_start3A_51] : memref<16384x256xf32, #tpu.memory_space<hbm>> -> memref<128x256xf32, #tpu.memory_space<hbm>>
      tpu.enqueue_dma source(%arg7 : memref<128x256xf32, #tpu.memory_space<vmem>>) target(%dma_start3A_52 : memref<128x256xf32, #tpu.memory_space<hbm>>) target_semaphore(%run_scoped3A : memref<!tpu.dma_semaphore, #tpu.memory_space<semaphore_mem>>)
      %dma_wait3A_53 = arith.constant 0 : i32
      %dma_wait3A_54 = tpu.memref_slice %arg4[%add3A_29, %dma_wait3A_53] : memref<16384x256xf32, #tpu.memory_space<hbm>> -> memref<128x256xf32, #tpu.memory_space<hbm>>
      %dma_wait3A_55 = arith.constant 0 : i32
      %dma_wait3A_56 = tpu.memref_slice %arg4[%add3A_29, %dma_wait3A_55] : memref<16384x256xf32, #tpu.memory_space<hbm>> -> memref<128x256xf32, #tpu.memory_space<hbm>>
      tpu.wait_dma2 semaphore(%run_scoped3A : memref<!tpu.dma_semaphore, #tpu.memory_space<semaphore_mem>>) src(%arg7 : memref<128x256xf32, #tpu.memory_space<vmem>>) dst(%dma_wait3A_56 : memref<128x256xf32, #tpu.memory_space<hbm>>)
      tpu.yield
    }) : () -> ()
    %dma_start3A_30 = arith.constant 384 : i32
    %dma_start3A_31 = tpu.memref_slice %arg5[%dma_start3A_30] : memref<512xi32, #tpu.memory_space<vmem>> -> memref<128xi32, #tpu.memory_space<vmem>>
    %dma_start3A_32 = arith.constant 0 : i32
    %dma_start3A_33 = arith.constant 0 : i32
    %dma_start3A_34 = tpu.memref_slice %arg2[%dma_start3A_32, %dma_start3A_33] : memref<8192x256xf32, #tpu.memory_space<hbm>> -> memref<8192x256xf32, #tpu.memory_space<hbm>>
    tpu.enqueue_indirect_dma source(%dma_start3A_34 : memref<8192x256xf32, #tpu.memory_space<hbm>>) target(%arg7 : memref<128x256xf32, #tpu.memory_space<vmem>>) offsets(%dma_start3A_31 : memref<128xi32, #tpu.memory_space<vmem>>) semaphore(%arg9 : memref<!tpu.dma_semaphore, #tpu.memory_space<semaphore_mem>>)
    %dma_wait3A_35 = arith.constant 256 : i32
    %dma_wait3A_36 = tpu.memref_slice %arg5[%dma_wait3A_35] : memref<512xi32, #tpu.memory_space<vmem>> -> memref<128xi32, #tpu.memory_space<vmem>>
    %dma_wait3A_37 = arith.constant 0 : i32
    %dma_wait3A_38 = arith.constant 0 : i32
    %dma_wait3A_39 = tpu.memref_slice %arg2[%dma_wait3A_37, %dma_wait3A_38] : memref<8192x256xf32, #tpu.memory_space<hbm>> -> memref<8192x256xf32, #tpu.memory_space<hbm>>
    tpu.wait_indirect_dma semaphore(%arg8 : memref<!tpu.dma_semaphore, #tpu.memory_space<semaphore_mem>>) src(%dma_wait3A_39 : memref<8192x256xf32, #tpu.memory_space<hbm>>) dst(%arg6 : memref<128x256xf32, #tpu.memory_space<vmem>>)
    %add3A_40 = arith.constant 256 : i32
    %add3A_41 = arith.addi %mul3A_2, %add3A_40 : i32
    "tpu.region"() ({
      %run_scoped3A = tpu.sem_alloc : memref<!tpu.dma_semaphore, #tpu.memory_space<semaphore_mem>>
      %dma_start3A_49 = arith.constant 0 : i32
      %dma_start3A_50 = tpu.memref_slice %arg4[%add3A_41, %dma_start3A_49] : memref<16384x256xf32, #tpu.memory_space<hbm>> -> memref<128x256xf32, #tpu.memory_space<hbm>>
      %dma_start3A_51 = arith.constant 0 : i32
      %dma_start3A_52 = tpu.memref_slice %arg4[%add3A_41, %dma_start3A_51] : memref<16384x256xf32, #tpu.memory_space<hbm>> -> memref<128x256xf32, #tpu.memory_space<hbm>>
      tpu.enqueue_dma source(%arg6 : memref<128x256xf32, #tpu.memory_space<vmem>>) target(%dma_start3A_52 : memref<128x256xf32, #tpu.memory_space<hbm>>) target_semaphore(%run_scoped3A : memref<!tpu.dma_semaphore, #tpu.memory_space<semaphore_mem>>)
      %dma_wait3A_53 = arith.constant 0 : i32
      %dma_wait3A_54 = tpu.memref_slice %arg4[%add3A_41, %dma_wait3A_53] : memref<16384x256xf32, #tpu.memory_space<hbm>> -> memref<128x256xf32, #tpu.memory_space<hbm>>
      %dma_wait3A_55 = arith.constant 0 : i32
      %dma_wait3A_56 = tpu.memref_slice %arg4[%add3A_41, %dma_wait3A_55] : memref<16384x256xf32, #tpu.memory_space<hbm>> -> memref<128x256xf32, #tpu.memory_space<hbm>>
      tpu.wait_dma2 semaphore(%run_scoped3A : memref<!tpu.dma_semaphore, #tpu.memory_space<semaphore_mem>>) src(%arg6 : memref<128x256xf32, #tpu.memory_space<vmem>>) dst(%dma_wait3A_56 : memref<128x256xf32, #tpu.memory_space<hbm>>)
      tpu.yield
    }) : () -> ()
    %dma_wait3A_42 = arith.constant 384 : i32
    %dma_wait3A_43 = tpu.memref_slice %arg5[%dma_wait3A_42] : memref<512xi32, #tpu.memory_space<vmem>> -> memref<128xi32, #tpu.memory_space<vmem>>
    %dma_wait3A_44 = arith.constant 0 : i32
    %dma_wait3A_45 = arith.constant 0 : i32
    %dma_wait3A_46 = tpu.memref_slice %arg2[%dma_wait3A_44, %dma_wait3A_45] : memref<8192x256xf32, #tpu.memory_space<hbm>> -> memref<8192x256xf32, #tpu.memory_space<hbm>>
    tpu.wait_indirect_dma semaphore(%arg9 : memref<!tpu.dma_semaphore, #tpu.memory_space<semaphore_mem>>) src(%dma_wait3A_46 : memref<8192x256xf32, #tpu.memory_space<hbm>>) dst(%arg7 : memref<128x256xf32, #tpu.memory_space<vmem>>)
    %add3A_47 = arith.constant 384 : i32
    %add3A_48 = arith.addi %mul3A_2, %add3A_47 : i32
    "tpu.region"() ({
      %run_scoped3A = tpu.sem_alloc : memref<!tpu.dma_semaphore, #tpu.memory_space<semaphore_mem>>
      %dma_start3A_49 = arith.constant 0 : i32
      %dma_start3A_50 = tpu.memref_slice %arg4[%add3A_48, %dma_start3A_49] : memref<16384x256xf32, #tpu.memory_space<hbm>> -> memref<128x256xf32, #tpu.memory_space<hbm>>
      %dma_start3A_51 = arith.constant 0 : i32
      %dma_start3A_52 = tpu.memref_slice %arg4[%add3A_48, %dma_start3A_51] : memref<16384x256xf32, #tpu.memory_space<hbm>> -> memref<128x256xf32, #tpu.memory_space<hbm>>
      tpu.enqueue_dma source(%arg7 : memref<128x256xf32, #tpu.memory_space<vmem>>) target(%dma_start3A_52 : memref<128x256xf32, #tpu.memory_space<hbm>>) target_semaphore(%run_scoped3A : memref<!tpu.dma_semaphore, #tpu.memory_space<semaphore_mem>>)
      %dma_wait3A_53 = arith.constant 0 : i32
      %dma_wait3A_54 = tpu.memref_slice %arg4[%add3A_48, %dma_wait3A_53] : memref<16384x256xf32, #tpu.memory_space<hbm>> -> memref<128x256xf32, #tpu.memory_space<hbm>>
      %dma_wait3A_55 = arith.constant 0 : i32
      %dma_wait3A_56 = tpu.memref_slice %arg4[%add3A_48, %dma_wait3A_55] : memref<16384x256xf32, #tpu.memory_space<hbm>> -> memref<128x256xf32, #tpu.memory_space<hbm>>
      tpu.wait_dma2 semaphore(%run_scoped3A : memref<!tpu.dma_semaphore, #tpu.memory_space<semaphore_mem>>) src(%arg7 : memref<128x256xf32, #tpu.memory_space<vmem>>) dst(%dma_wait3A_56 : memref<128x256xf32, #tpu.memory_space<hbm>>)
      tpu.yield
    }) : () -> ()
    return
  }
}

module attributes {stable_mosaic.version = 14 : i64} {
  func.func @_dist_argmin_body(%arg0: i32, %arg1: memref<1024x1xf32, #tpu.memory_space<vmem>>, %arg2: memref<1024x256xf32, #tpu.memory_space<vmem>>, %arg3: memref<8192x256xbf16, #tpu.memory_space<vmem>>, %arg4: memref<1x8192xf32, #tpu.memory_space<vmem>>, %arg5: memref<1x8192xf32, #tpu.memory_space<vmem>>, %arg6: memref<1024x1xi32, #tpu.memory_space<vmem>>) attributes {dimension_semantics = [#tpu.dimension_semantics<arbitrary>], iteration_bounds = array<i64: 16>, scalar_prefetch = 0 : i64, scratch_operands = 0 : i64, tpu.core_type = #tpu.core_type<tc>, window_params = [{transform_indices = @transform_0, window_bounds = array<i64: 1024, 1>}, {transform_indices = @transform_1, window_bounds = array<i64: 1024, 256>}, {pipeline_mode = #tpu.pipeline_mode<synchronous>, transform_indices = @transform_2, window_bounds = array<i64: 8192, 256>}, {pipeline_mode = #tpu.pipeline_mode<synchronous>, transform_indices = @transform_3, window_bounds = array<i64: 1, 8192>}, {pipeline_mode = #tpu.pipeline_mode<synchronous>, transform_indices = @transform_4, window_bounds = array<i64: 1, 8192>}, {transform_indices = @transform_5, window_bounds = array<i64: 1024, 1>}]} {
    %get3A = arith.constant 0 : index
    %get3A_0 = arith.constant 0 : index
    %get3A_1 = vector.load %arg2[%get3A, %get3A_0] : memref<1024x256xf32, #tpu.memory_space<vmem>>, vector<1024x256xf32>
    %mul3A = arith.constant 2.000000e+00 : f32
    %mul3A_2 = vector.broadcast %mul3A : f32 to vector<1024x256xf32>
    %mul3A_3 = arith.mulf %mul3A_2, %get3A_1 : vector<1024x256xf32>
    %convert_element_type3A = arith.truncf %mul3A_3 : vector<1024x256xf32> to vector<1024x256xbf16>
    %get3A_4 = arith.constant 0 : index
    %get3A_5 = arith.constant 0 : index
    %get3A_6 = vector.load %arg1[%get3A_4, %get3A_5] : memref<1024x1xf32, #tpu.memory_space<vmem>>, vector<1024x1xf32>
    %get3A_7 = arith.constant 0 : index
    %get3A_8 = arith.constant 0 : index
    %get3A_9 = vector.load %arg3[%get3A_7, %get3A_8] : memref<8192x256xbf16, #tpu.memory_space<vmem>>, vector<256x256xbf16>
    %dot_general3A = arith.constant dense<0.000000e+00> : vector<1024x256xf32>
    %dot_general3A_10 = tpu.matmul %convert_element_type3A, %get3A_9, %dot_general3A {dimension_numbers = #tpu.dot_dimension_numbers<[1], [1], [0], [0], [0, 0, 1, 0], [], []>, transpose_lhs_hint = false} : vector<1024x256xbf16>, vector<256x256xbf16>, vector<1024x256xf32> -> vector<1024x256xf32>
    %sub3A = vector.broadcast %get3A_6 : vector<1024x1xf32> to vector<1024x256xf32>
    %sub3A_11 = arith.subf %sub3A, %dot_general3A_10 : vector<1024x256xf32>
    %get3A_12 = arith.constant 0 : index
    %get3A_13 = arith.constant 0 : index
    %get3A_14 = vector.load %arg4[%get3A_12, %get3A_13] : memref<1x8192xf32, #tpu.memory_space<vmem>>, vector<1x256xf32>
    %add3A = vector.broadcast %get3A_14 : vector<1x256xf32> to vector<1024x256xf32>
    %add3A_15 = arith.addf %sub3A_11, %add3A : vector<1024x256xf32>
    %get3A_16 = arith.constant 256 : index
    %get3A_17 = arith.constant 0 : index
    %get3A_18 = vector.load %arg3[%get3A_16, %get3A_17] : memref<8192x256xbf16, #tpu.memory_space<vmem>>, vector<256x256xbf16>
    %dot_general3A_19 = arith.constant dense<0.000000e+00> : vector<1024x256xf32>
    %dot_general3A_20 = tpu.matmul %convert_element_type3A, %get3A_18, %dot_general3A_19 {dimension_numbers = #tpu.dot_dimension_numbers<[1], [1], [0], [0], [0, 0, 1, 0], [], []>, transpose_lhs_hint = false} : vector<1024x256xbf16>, vector<256x256xbf16>, vector<1024x256xf32> -> vector<1024x256xf32>
    %sub3A_21 = vector.broadcast %get3A_6 : vector<1024x1xf32> to vector<1024x256xf32>
    %sub3A_22 = arith.subf %sub3A_21, %dot_general3A_20 : vector<1024x256xf32>
    %get3A_23 = arith.constant 0 : index
    %get3A_24 = arith.constant 256 : index
    %get3A_25 = vector.load %arg4[%get3A_23, %get3A_24] : memref<1x8192xf32, #tpu.memory_space<vmem>>, vector<1x256xf32>
    %add3A_26 = vector.broadcast %get3A_25 : vector<1x256xf32> to vector<1024x256xf32>
    %add3A_27 = arith.addf %sub3A_22, %add3A_26 : vector<1024x256xf32>
    %get3A_28 = arith.constant 0 : index
    %get3A_29 = arith.constant 0 : index
    %get3A_30 = vector.load %arg5[%get3A_28, %get3A_29] : memref<1x8192xf32, #tpu.memory_space<vmem>>, vector<1x256xf32>
    %broadcast_in_dim3A = vector.shape_cast %get3A_30 : vector<1x256xf32> to vector<1x256xf32>
    %broadcast_in_dim3A_31 = vector.broadcast %broadcast_in_dim3A : vector<1x256xf32> to vector<1024x256xf32>
    %get3A_32 = arith.constant 0 : index
    %get3A_33 = arith.constant 256 : index
    %get3A_34 = vector.load %arg5[%get3A_32, %get3A_33] : memref<1x8192xf32, #tpu.memory_space<vmem>>, vector<1x256xf32>
    %broadcast_in_dim3A_35 = vector.shape_cast %get3A_34 : vector<1x256xf32> to vector<1x256xf32>
    %broadcast_in_dim3A_36 = vector.broadcast %broadcast_in_dim3A_35 : vector<1x256xf32> to vector<1024x256xf32>
    %lt3A = arith.cmpf olt, %add3A_27, %add3A_15 : vector<1024x256xf32>
    %select_n3A = arith.select %lt3A, %add3A_27, %add3A_15 : vector<1024x256xi1>, vector<1024x256xf32>
    %select_n3A_37 = arith.select %lt3A, %broadcast_in_dim3A_36, %broadcast_in_dim3A_31 : vector<1024x256xi1>, vector<1024x256xf32>
    %get3A_38 = arith.constant 512 : index
    %get3A_39 = arith.constant 0 : index
    %get3A_40 = vector.load %arg3[%get3A_38, %get3A_39] : memref<8192x256xbf16, #tpu.memory_space<vmem>>, vector<256x256xbf16>
    %dot_general3A_41 = arith.constant dense<0.000000e+00> : vector<1024x256xf32>
    %dot_general3A_42 = tpu.matmul %convert_element_type3A, %get3A_40, %dot_general3A_41 {dimension_numbers = #tpu.dot_dimension_numbers<[1], [1], [0], [0], [0, 0, 1, 0], [], []>, transpose_lhs_hint = false} : vector<1024x256xbf16>, vector<256x256xbf16>, vector<1024x256xf32> -> vector<1024x256xf32>
    %sub3A_43 = vector.broadcast %get3A_6 : vector<1024x1xf32> to vector<1024x256xf32>
    %sub3A_44 = arith.subf %sub3A_43, %dot_general3A_42 : vector<1024x256xf32>
    %get3A_45 = arith.constant 0 : index
    %get3A_46 = arith.constant 512 : index
    %get3A_47 = vector.load %arg4[%get3A_45, %get3A_46] : memref<1x8192xf32, #tpu.memory_space<vmem>>, vector<1x256xf32>
    %add3A_48 = vector.broadcast %get3A_47 : vector<1x256xf32> to vector<1024x256xf32>
    %add3A_49 = arith.addf %sub3A_44, %add3A_48 : vector<1024x256xf32>
    %get3A_50 = arith.constant 768 : index
    %get3A_51 = arith.constant 0 : index
    %get3A_52 = vector.load %arg3[%get3A_50, %get3A_51] : memref<8192x256xbf16, #tpu.memory_space<vmem>>, vector<256x256xbf16>
    %dot_general3A_53 = arith.constant dense<0.000000e+00> : vector<1024x256xf32>
    %dot_general3A_54 = tpu.matmul %convert_element_type3A, %get3A_52, %dot_general3A_53 {dimension_numbers = #tpu.dot_dimension_numbers<[1], [1], [0], [0], [0, 0, 1, 0], [], []>, transpose_lhs_hint = false} : vector<1024x256xbf16>, vector<256x256xbf16>, vector<1024x256xf32> -> vector<1024x256xf32>
    %sub3A_55 = vector.broadcast %get3A_6 : vector<1024x1xf32> to vector<1024x256xf32>
    %sub3A_56 = arith.subf %sub3A_55, %dot_general3A_54 : vector<1024x256xf32>
    %get3A_57 = arith.constant 0 : index
    %get3A_58 = arith.constant 768 : index
    %get3A_59 = vector.load %arg4[%get3A_57, %get3A_58] : memref<1x8192xf32, #tpu.memory_space<vmem>>, vector<1x256xf32>
    %add3A_60 = vector.broadcast %get3A_59 : vector<1x256xf32> to vector<1024x256xf32>
    %add3A_61 = arith.addf %sub3A_56, %add3A_60 : vector<1024x256xf32>
    %get3A_62 = arith.constant 0 : index
    %get3A_63 = arith.constant 512 : index
    %get3A_64 = vector.load %arg5[%get3A_62, %get3A_63] : memref<1x8192xf32, #tpu.memory_space<vmem>>, vector<1x256xf32>
    %broadcast_in_dim3A_65 = vector.shape_cast %get3A_64 : vector<1x256xf32> to vector<1x256xf32>
    %broadcast_in_dim3A_66 = vector.broadcast %broadcast_in_dim3A_65 : vector<1x256xf32> to vector<1024x256xf32>
    %get3A_67 = arith.constant 0 : index
    %get3A_68 = arith.constant 768 : index
    %get3A_69 = vector.load %arg5[%get3A_67, %get3A_68] : memref<1x8192xf32, #tpu.memory_space<vmem>>, vector<1x256xf32>
    %broadcast_in_dim3A_70 = vector.shape_cast %get3A_69 : vector<1x256xf32> to vector<1x256xf32>
    %broadcast_in_dim3A_71 = vector.broadcast %broadcast_in_dim3A_70 : vector<1x256xf32> to vector<1024x256xf32>
    %lt3A_72 = arith.cmpf olt, %add3A_61, %add3A_49 : vector<1024x256xf32>
    %select_n3A_73 = arith.select %lt3A_72, %add3A_61, %add3A_49 : vector<1024x256xi1>, vector<1024x256xf32>
    %select_n3A_74 = arith.select %lt3A_72, %broadcast_in_dim3A_71, %broadcast_in_dim3A_66 : vector<1024x256xi1>, vector<1024x256xf32>
    %lt3A_75 = arith.cmpf olt, %select_n3A_73, %select_n3A : vector<1024x256xf32>
    %select_n3A_76 = arith.select %lt3A_75, %select_n3A_73, %select_n3A : vector<1024x256xi1>, vector<1024x256xf32>
    %select_n3A_77 = arith.select %lt3A_75, %select_n3A_74, %select_n3A_37 : vector<1024x256xi1>, vector<1024x256xf32>
    %get3A_78 = arith.constant 1024 : index
    %get3A_79 = arith.constant 0 : index
    %get3A_80 = vector.load %arg3[%get3A_78, %get3A_79] : memref<8192x256xbf16, #tpu.memory_space<vmem>>, vector<256x256xbf16>
    %dot_general3A_81 = arith.constant dense<0.000000e+00> : vector<1024x256xf32>
    %dot_general3A_82 = tpu.matmul %convert_element_type3A, %get3A_80, %dot_general3A_81 {dimension_numbers = #tpu.dot_dimension_numbers<[1], [1], [0], [0], [0, 0, 1, 0], [], []>, transpose_lhs_hint = false} : vector<1024x256xbf16>, vector<256x256xbf16>, vector<1024x256xf32> -> vector<1024x256xf32>
    %sub3A_83 = vector.broadcast %get3A_6 : vector<1024x1xf32> to vector<1024x256xf32>
    %sub3A_84 = arith.subf %sub3A_83, %dot_general3A_82 : vector<1024x256xf32>
    %get3A_85 = arith.constant 0 : index
    %get3A_86 = arith.constant 1024 : index
    %get3A_87 = vector.load %arg4[%get3A_85, %get3A_86] : memref<1x8192xf32, #tpu.memory_space<vmem>>, vector<1x256xf32>
    %add3A_88 = vector.broadcast %get3A_87 : vector<1x256xf32> to vector<1024x256xf32>
    %add3A_89 = arith.addf %sub3A_84, %add3A_88 : vector<1024x256xf32>
    %get3A_90 = arith.constant 1280 : index
    %get3A_91 = arith.constant 0 : index
    %get3A_92 = vector.load %arg3[%get3A_90, %get3A_91] : memref<8192x256xbf16, #tpu.memory_space<vmem>>, vector<256x256xbf16>
    %dot_general3A_93 = arith.constant dense<0.000000e+00> : vector<1024x256xf32>
    %dot_general3A_94 = tpu.matmul %convert_element_type3A, %get3A_92, %dot_general3A_93 {dimension_numbers = #tpu.dot_dimension_numbers<[1], [1], [0], [0], [0, 0, 1, 0], [], []>, transpose_lhs_hint = false} : vector<1024x256xbf16>, vector<256x256xbf16>, vector<1024x256xf32> -> vector<1024x256xf32>
    %sub3A_95 = vector.broadcast %get3A_6 : vector<1024x1xf32> to vector<1024x256xf32>
    %sub3A_96 = arith.subf %sub3A_95, %dot_general3A_94 : vector<1024x256xf32>
    %get3A_97 = arith.constant 0 : index
    %get3A_98 = arith.constant 1280 : index
    %get3A_99 = vector.load %arg4[%get3A_97, %get3A_98] : memref<1x8192xf32, #tpu.memory_space<vmem>>, vector<1x256xf32>
    %add3A_100 = vector.broadcast %get3A_99 : vector<1x256xf32> to vector<1024x256xf32>
    %add3A_101 = arith.addf %sub3A_96, %add3A_100 : vector<1024x256xf32>
    %get3A_102 = arith.constant 0 : index
    %get3A_103 = arith.constant 1024 : index
    %get3A_104 = vector.load %arg5[%get3A_102, %get3A_103] : memref<1x8192xf32, #tpu.memory_space<vmem>>, vector<1x256xf32>
    %broadcast_in_dim3A_105 = vector.shape_cast %get3A_104 : vector<1x256xf32> to vector<1x256xf32>
    %broadcast_in_dim3A_106 = vector.broadcast %broadcast_in_dim3A_105 : vector<1x256xf32> to vector<1024x256xf32>
    %get3A_107 = arith.constant 0 : index
    %get3A_108 = arith.constant 1280 : index
    %get3A_109 = vector.load %arg5[%get3A_107, %get3A_108] : memref<1x8192xf32, #tpu.memory_space<vmem>>, vector<1x256xf32>
    %broadcast_in_dim3A_110 = vector.shape_cast %get3A_109 : vector<1x256xf32> to vector<1x256xf32>
    %broadcast_in_dim3A_111 = vector.broadcast %broadcast_in_dim3A_110 : vector<1x256xf32> to vector<1024x256xf32>
    %lt3A_112 = arith.cmpf olt, %add3A_101, %add3A_89 : vector<1024x256xf32>
    %select_n3A_113 = arith.select %lt3A_112, %add3A_101, %add3A_89 : vector<1024x256xi1>, vector<1024x256xf32>
    %select_n3A_114 = arith.select %lt3A_112, %broadcast_in_dim3A_111, %broadcast_in_dim3A_106 : vector<1024x256xi1>, vector<1024x256xf32>
    %get3A_115 = arith.constant 1536 : index
    %get3A_116 = arith.constant 0 : index
    %get3A_117 = vector.load %arg3[%get3A_115, %get3A_116] : memref<8192x256xbf16, #tpu.memory_space<vmem>>, vector<256x256xbf16>
    %dot_general3A_118 = arith.constant dense<0.000000e+00> : vector<1024x256xf32>
    %dot_general3A_119 = tpu.matmul %convert_element_type3A, %get3A_117, %dot_general3A_118 {dimension_numbers = #tpu.dot_dimension_numbers<[1], [1], [0], [0], [0, 0, 1, 0], [], []>, transpose_lhs_hint = false} : vector<1024x256xbf16>, vector<256x256xbf16>, vector<1024x256xf32> -> vector<1024x256xf32>
    %sub3A_120 = vector.broadcast %get3A_6 : vector<1024x1xf32> to vector<1024x256xf32>
    %sub3A_121 = arith.subf %sub3A_120, %dot_general3A_119 : vector<1024x256xf32>
    %get3A_122 = arith.constant 0 : index
    %get3A_123 = arith.constant 1536 : index
    %get3A_124 = vector.load %arg4[%get3A_122, %get3A_123] : memref<1x8192xf32, #tpu.memory_space<vmem>>, vector<1x256xf32>
    %add3A_125 = vector.broadcast %get3A_124 : vector<1x256xf32> to vector<1024x256xf32>
    %add3A_126 = arith.addf %sub3A_121, %add3A_125 : vector<1024x256xf32>
    %get3A_127 = arith.constant 1792 : index
    %get3A_128 = arith.constant 0 : index
    %get3A_129 = vector.load %arg3[%get3A_127, %get3A_128] : memref<8192x256xbf16, #tpu.memory_space<vmem>>, vector<256x256xbf16>
    %dot_general3A_130 = arith.constant dense<0.000000e+00> : vector<1024x256xf32>
    %dot_general3A_131 = tpu.matmul %convert_element_type3A, %get3A_129, %dot_general3A_130 {dimension_numbers = #tpu.dot_dimension_numbers<[1], [1], [0], [0], [0, 0, 1, 0], [], []>, transpose_lhs_hint = false} : vector<1024x256xbf16>, vector<256x256xbf16>, vector<1024x256xf32> -> vector<1024x256xf32>
    %sub3A_132 = vector.broadcast %get3A_6 : vector<1024x1xf32> to vector<1024x256xf32>
    %sub3A_133 = arith.subf %sub3A_132, %dot_general3A_131 : vector<1024x256xf32>
    %get3A_134 = arith.constant 0 : index
    %get3A_135 = arith.constant 1792 : index
    %get3A_136 = vector.load %arg4[%get3A_134, %get3A_135] : memref<1x8192xf32, #tpu.memory_space<vmem>>, vector<1x256xf32>
    %add3A_137 = vector.broadcast %get3A_136 : vector<1x256xf32> to vector<1024x256xf32>
    %add3A_138 = arith.addf %sub3A_133, %add3A_137 : vector<1024x256xf32>
    %get3A_139 = arith.constant 0 : index
    %get3A_140 = arith.constant 1536 : index
    %get3A_141 = vector.load %arg5[%get3A_139, %get3A_140] : memref<1x8192xf32, #tpu.memory_space<vmem>>, vector<1x256xf32>
    %broadcast_in_dim3A_142 = vector.shape_cast %get3A_141 : vector<1x256xf32> to vector<1x256xf32>
    %broadcast_in_dim3A_143 = vector.broadcast %broadcast_in_dim3A_142 : vector<1x256xf32> to vector<1024x256xf32>
    %get3A_144 = arith.constant 0 : index
    %get3A_145 = arith.constant 1792 : index
    %get3A_146 = vector.load %arg5[%get3A_144, %get3A_145] : memref<1x8192xf32, #tpu.memory_space<vmem>>, vector<1x256xf32>
    %broadcast_in_dim3A_147 = vector.shape_cast %get3A_146 : vector<1x256xf32> to vector<1x256xf32>
    %broadcast_in_dim3A_148 = vector.broadcast %broadcast_in_dim3A_147 : vector<1x256xf32> to vector<1024x256xf32>
    %lt3A_149 = arith.cmpf olt, %add3A_138, %add3A_126 : vector<1024x256xf32>
    %select_n3A_150 = arith.select %lt3A_149, %add3A_138, %add3A_126 : vector<1024x256xi1>, vector<1024x256xf32>
    %select_n3A_151 = arith.select %lt3A_149, %broadcast_in_dim3A_148, %broadcast_in_dim3A_143 : vector<1024x256xi1>, vector<1024x256xf32>
    %lt3A_152 = arith.cmpf olt, %select_n3A_150, %select_n3A_113 : vector<1024x256xf32>
    %select_n3A_153 = arith.select %lt3A_152, %select_n3A_150, %select_n3A_113 : vector<1024x256xi1>, vector<1024x256xf32>
    %select_n3A_154 = arith.select %lt3A_152, %select_n3A_151, %select_n3A_114 : vector<1024x256xi1>, vector<1024x256xf32>
    %lt3A_155 = arith.cmpf olt, %select_n3A_153, %select_n3A_76 : vector<1024x256xf32>
    %select_n3A_156 = arith.select %lt3A_155, %select_n3A_153, %select_n3A_76 : vector<1024x256xi1>, vector<1024x256xf32>
    %select_n3A_157 = arith.select %lt3A_155, %select_n3A_154, %select_n3A_77 : vector<1024x256xi1>, vector<1024x256xf32>
    %get3A_158 = arith.constant 2048 : index
    %get3A_159 = arith.constant 0 : index
    %get3A_160 = vector.load %arg3[%get3A_158, %get3A_159] : memref<8192x256xbf16, #tpu.memory_space<vmem>>, vector<256x256xbf16>
    %dot_general3A_161 = arith.constant dense<0.000000e+00> : vector<1024x256xf32>
    %dot_general3A_162 = tpu.matmul %convert_element_type3A, %get3A_160, %dot_general3A_161 {dimension_numbers = #tpu.dot_dimension_numbers<[1], [1], [0], [0], [0, 0, 1, 0], [], []>, transpose_lhs_hint = false} : vector<1024x256xbf16>, vector<256x256xbf16>, vector<1024x256xf32> -> vector<1024x256xf32>
    %sub3A_163 = vector.broadcast %get3A_6 : vector<1024x1xf32> to vector<1024x256xf32>
    %sub3A_164 = arith.subf %sub3A_163, %dot_general3A_162 : vector<1024x256xf32>
    %get3A_165 = arith.constant 0 : index
    %get3A_166 = arith.constant 2048 : index
    %get3A_167 = vector.load %arg4[%get3A_165, %get3A_166] : memref<1x8192xf32, #tpu.memory_space<vmem>>, vector<1x256xf32>
    %add3A_168 = vector.broadcast %get3A_167 : vector<1x256xf32> to vector<1024x256xf32>
    %add3A_169 = arith.addf %sub3A_164, %add3A_168 : vector<1024x256xf32>
    %get3A_170 = arith.constant 2304 : index
    %get3A_171 = arith.constant 0 : index
    %get3A_172 = vector.load %arg3[%get3A_170, %get3A_171] : memref<8192x256xbf16, #tpu.memory_space<vmem>>, vector<256x256xbf16>
    %dot_general3A_173 = arith.constant dense<0.000000e+00> : vector<1024x256xf32>
    %dot_general3A_174 = tpu.matmul %convert_element_type3A, %get3A_172, %dot_general3A_173 {dimension_numbers = #tpu.dot_dimension_numbers<[1], [1], [0], [0], [0, 0, 1, 0], [], []>, transpose_lhs_hint = false} : vector<1024x256xbf16>, vector<256x256xbf16>, vector<1024x256xf32> -> vector<1024x256xf32>
    %sub3A_175 = vector.broadcast %get3A_6 : vector<1024x1xf32> to vector<1024x256xf32>
    %sub3A_176 = arith.subf %sub3A_175, %dot_general3A_174 : vector<1024x256xf32>
    %get3A_177 = arith.constant 0 : index
    %get3A_178 = arith.constant 2304 : index
    %get3A_179 = vector.load %arg4[%get3A_177, %get3A_178] : memref<1x8192xf32, #tpu.memory_space<vmem>>, vector<1x256xf32>
    %add3A_180 = vector.broadcast %get3A_179 : vector<1x256xf32> to vector<1024x256xf32>
    %add3A_181 = arith.addf %sub3A_176, %add3A_180 : vector<1024x256xf32>
    %get3A_182 = arith.constant 0 : index
    %get3A_183 = arith.constant 2048 : index
    %get3A_184 = vector.load %arg5[%get3A_182, %get3A_183] : memref<1x8192xf32, #tpu.memory_space<vmem>>, vector<1x256xf32>
    %broadcast_in_dim3A_185 = vector.shape_cast %get3A_184 : vector<1x256xf32> to vector<1x256xf32>
    %broadcast_in_dim3A_186 = vector.broadcast %broadcast_in_dim3A_185 : vector<1x256xf32> to vector<1024x256xf32>
    %get3A_187 = arith.constant 0 : index
    %get3A_188 = arith.constant 2304 : index
    %get3A_189 = vector.load %arg5[%get3A_187, %get3A_188] : memref<1x8192xf32, #tpu.memory_space<vmem>>, vector<1x256xf32>
    %broadcast_in_dim3A_190 = vector.shape_cast %get3A_189 : vector<1x256xf32> to vector<1x256xf32>
    %broadcast_in_dim3A_191 = vector.broadcast %broadcast_in_dim3A_190 : vector<1x256xf32> to vector<1024x256xf32>
    %lt3A_192 = arith.cmpf olt, %add3A_181, %add3A_169 : vector<1024x256xf32>
    %select_n3A_193 = arith.select %lt3A_192, %add3A_181, %add3A_169 : vector<1024x256xi1>, vector<1024x256xf32>
    %select_n3A_194 = arith.select %lt3A_192, %broadcast_in_dim3A_191, %broadcast_in_dim3A_186 : vector<1024x256xi1>, vector<1024x256xf32>
    %get3A_195 = arith.constant 2560 : index
    %get3A_196 = arith.constant 0 : index
    %get3A_197 = vector.load %arg3[%get3A_195, %get3A_196] : memref<8192x256xbf16, #tpu.memory_space<vmem>>, vector<256x256xbf16>
    %dot_general3A_198 = arith.constant dense<0.000000e+00> : vector<1024x256xf32>
    %dot_general3A_199 = tpu.matmul %convert_element_type3A, %get3A_197, %dot_general3A_198 {dimension_numbers = #tpu.dot_dimension_numbers<[1], [1], [0], [0], [0, 0, 1, 0], [], []>, transpose_lhs_hint = false} : vector<1024x256xbf16>, vector<256x256xbf16>, vector<1024x256xf32> -> vector<1024x256xf32>
    %sub3A_200 = vector.broadcast %get3A_6 : vector<1024x1xf32> to vector<1024x256xf32>
    %sub3A_201 = arith.subf %sub3A_200, %dot_general3A_199 : vector<1024x256xf32>
    %get3A_202 = arith.constant 0 : index
    %get3A_203 = arith.constant 2560 : index
    %get3A_204 = vector.load %arg4[%get3A_202, %get3A_203] : memref<1x8192xf32, #tpu.memory_space<vmem>>, vector<1x256xf32>
    %add3A_205 = vector.broadcast %get3A_204 : vector<1x256xf32> to vector<1024x256xf32>
    %add3A_206 = arith.addf %sub3A_201, %add3A_205 : vector<1024x256xf32>
    %get3A_207 = arith.constant 2816 : index
    %get3A_208 = arith.constant 0 : index
    %get3A_209 = vector.load %arg3[%get3A_207, %get3A_208] : memref<8192x256xbf16, #tpu.memory_space<vmem>>, vector<256x256xbf16>
    %dot_general3A_210 = arith.constant dense<0.000000e+00> : vector<1024x256xf32>
    %dot_general3A_211 = tpu.matmul %convert_element_type3A, %get3A_209, %dot_general3A_210 {dimension_numbers = #tpu.dot_dimension_numbers<[1], [1], [0], [0], [0, 0, 1, 0], [], []>, transpose_lhs_hint = false} : vector<1024x256xbf16>, vector<256x256xbf16>, vector<1024x256xf32> -> vector<1024x256xf32>
    %sub3A_212 = vector.broadcast %get3A_6 : vector<1024x1xf32> to vector<1024x256xf32>
    %sub3A_213 = arith.subf %sub3A_212, %dot_general3A_211 : vector<1024x256xf32>
    %get3A_214 = arith.constant 0 : index
    %get3A_215 = arith.constant 2816 : index
    %get3A_216 = vector.load %arg4[%get3A_214, %get3A_215] : memref<1x8192xf32, #tpu.memory_space<vmem>>, vector<1x256xf32>
    %add3A_217 = vector.broadcast %get3A_216 : vector<1x256xf32> to vector<1024x256xf32>
    %add3A_218 = arith.addf %sub3A_213, %add3A_217 : vector<1024x256xf32>
    %get3A_219 = arith.constant 0 : index
    %get3A_220 = arith.constant 2560 : index
    %get3A_221 = vector.load %arg5[%get3A_219, %get3A_220] : memref<1x8192xf32, #tpu.memory_space<vmem>>, vector<1x256xf32>
    %broadcast_in_dim3A_222 = vector.shape_cast %get3A_221 : vector<1x256xf32> to vector<1x256xf32>
    %broadcast_in_dim3A_223 = vector.broadcast %broadcast_in_dim3A_222 : vector<1x256xf32> to vector<1024x256xf32>
    %get3A_224 = arith.constant 0 : index
    %get3A_225 = arith.constant 2816 : index
    %get3A_226 = vector.load %arg5[%get3A_224, %get3A_225] : memref<1x8192xf32, #tpu.memory_space<vmem>>, vector<1x256xf32>
    %broadcast_in_dim3A_227 = vector.shape_cast %get3A_226 : vector<1x256xf32> to vector<1x256xf32>
    %broadcast_in_dim3A_228 = vector.broadcast %broadcast_in_dim3A_227 : vector<1x256xf32> to vector<1024x256xf32>
    %lt3A_229 = arith.cmpf olt, %add3A_218, %add3A_206 : vector<1024x256xf32>
    %select_n3A_230 = arith.select %lt3A_229, %add3A_218, %add3A_206 : vector<1024x256xi1>, vector<1024x256xf32>
    %select_n3A_231 = arith.select %lt3A_229, %broadcast_in_dim3A_228, %broadcast_in_dim3A_223 : vector<1024x256xi1>, vector<1024x256xf32>
    %lt3A_232 = arith.cmpf olt, %select_n3A_230, %select_n3A_193 : vector<1024x256xf32>
    %select_n3A_233 = arith.select %lt3A_232, %select_n3A_230, %select_n3A_193 : vector<1024x256xi1>, vector<1024x256xf32>
    %select_n3A_234 = arith.select %lt3A_232, %select_n3A_231, %select_n3A_194 : vector<1024x256xi1>, vector<1024x256xf32>
    %get3A_235 = arith.constant 3072 : index
    %get3A_236 = arith.constant 0 : index
    %get3A_237 = vector.load %arg3[%get3A_235, %get3A_236] : memref<8192x256xbf16, #tpu.memory_space<vmem>>, vector<256x256xbf16>
    %dot_general3A_238 = arith.constant dense<0.000000e+00> : vector<1024x256xf32>
    %dot_general3A_239 = tpu.matmul %convert_element_type3A, %get3A_237, %dot_general3A_238 {dimension_numbers = #tpu.dot_dimension_numbers<[1], [1], [0], [0], [0, 0, 1, 0], [], []>, transpose_lhs_hint = false} : vector<1024x256xbf16>, vector<256x256xbf16>, vector<1024x256xf32> -> vector<1024x256xf32>
    %sub3A_240 = vector.broadcast %get3A_6 : vector<1024x1xf32> to vector<1024x256xf32>
    %sub3A_241 = arith.subf %sub3A_240, %dot_general3A_239 : vector<1024x256xf32>
    %get3A_242 = arith.constant 0 : index
    %get3A_243 = arith.constant 3072 : index
    %get3A_244 = vector.load %arg4[%get3A_242, %get3A_243] : memref<1x8192xf32, #tpu.memory_space<vmem>>, vector<1x256xf32>
    %add3A_245 = vector.broadcast %get3A_244 : vector<1x256xf32> to vector<1024x256xf32>
    %add3A_246 = arith.addf %sub3A_241, %add3A_245 : vector<1024x256xf32>
    %get3A_247 = arith.constant 3328 : index
    %get3A_248 = arith.constant 0 : index
    %get3A_249 = vector.load %arg3[%get3A_247, %get3A_248] : memref<8192x256xbf16, #tpu.memory_space<vmem>>, vector<256x256xbf16>
    %dot_general3A_250 = arith.constant dense<0.000000e+00> : vector<1024x256xf32>
    %dot_general3A_251 = tpu.matmul %convert_element_type3A, %get3A_249, %dot_general3A_250 {dimension_numbers = #tpu.dot_dimension_numbers<[1], [1], [0], [0], [0, 0, 1, 0], [], []>, transpose_lhs_hint = false} : vector<1024x256xbf16>, vector<256x256xbf16>, vector<1024x256xf32> -> vector<1024x256xf32>
    %sub3A_252 = vector.broadcast %get3A_6 : vector<1024x1xf32> to vector<1024x256xf32>
    %sub3A_253 = arith.subf %sub3A_252, %dot_general3A_251 : vector<1024x256xf32>
    %get3A_254 = arith.constant 0 : index
    %get3A_255 = arith.constant 3328 : index
    %get3A_256 = vector.load %arg4[%get3A_254, %get3A_255] : memref<1x8192xf32, #tpu.memory_space<vmem>>, vector<1x256xf32>
    %add3A_257 = vector.broadcast %get3A_256 : vector<1x256xf32> to vector<1024x256xf32>
    %add3A_258 = arith.addf %sub3A_253, %add3A_257 : vector<1024x256xf32>
    %get3A_259 = arith.constant 0 : index
    %get3A_260 = arith.constant 3072 : index
    %get3A_261 = vector.load %arg5[%get3A_259, %get3A_260] : memref<1x8192xf32, #tpu.memory_space<vmem>>, vector<1x256xf32>
    %broadcast_in_dim3A_262 = vector.shape_cast %get3A_261 : vector<1x256xf32> to vector<1x256xf32>
    %broadcast_in_dim3A_263 = vector.broadcast %broadcast_in_dim3A_262 : vector<1x256xf32> to vector<1024x256xf32>
    %get3A_264 = arith.constant 0 : index
    %get3A_265 = arith.constant 3328 : index
    %get3A_266 = vector.load %arg5[%get3A_264, %get3A_265] : memref<1x8192xf32, #tpu.memory_space<vmem>>, vector<1x256xf32>
    %broadcast_in_dim3A_267 = vector.shape_cast %get3A_266 : vector<1x256xf32> to vector<1x256xf32>
    %broadcast_in_dim3A_268 = vector.broadcast %broadcast_in_dim3A_267 : vector<1x256xf32> to vector<1024x256xf32>
    %lt3A_269 = arith.cmpf olt, %add3A_258, %add3A_246 : vector<1024x256xf32>
    %select_n3A_270 = arith.select %lt3A_269, %add3A_258, %add3A_246 : vector<1024x256xi1>, vector<1024x256xf32>
    %select_n3A_271 = arith.select %lt3A_269, %broadcast_in_dim3A_268, %broadcast_in_dim3A_263 : vector<1024x256xi1>, vector<1024x256xf32>
    %get3A_272 = arith.constant 3584 : index
    %get3A_273 = arith.constant 0 : index
    %get3A_274 = vector.load %arg3[%get3A_272, %get3A_273] : memref<8192x256xbf16, #tpu.memory_space<vmem>>, vector<256x256xbf16>
    %dot_general3A_275 = arith.constant dense<0.000000e+00> : vector<1024x256xf32>
    %dot_general3A_276 = tpu.matmul %convert_element_type3A, %get3A_274, %dot_general3A_275 {dimension_numbers = #tpu.dot_dimension_numbers<[1], [1], [0], [0], [0, 0, 1, 0], [], []>, transpose_lhs_hint = false} : vector<1024x256xbf16>, vector<256x256xbf16>, vector<1024x256xf32> -> vector<1024x256xf32>
    %sub3A_277 = vector.broadcast %get3A_6 : vector<1024x1xf32> to vector<1024x256xf32>
    %sub3A_278 = arith.subf %sub3A_277, %dot_general3A_276 : vector<1024x256xf32>
    %get3A_279 = arith.constant 0 : index
    %get3A_280 = arith.constant 3584 : index
    %get3A_281 = vector.load %arg4[%get3A_279, %get3A_280] : memref<1x8192xf32, #tpu.memory_space<vmem>>, vector<1x256xf32>
    %add3A_282 = vector.broadcast %get3A_281 : vector<1x256xf32> to vector<1024x256xf32>
    %add3A_283 = arith.addf %sub3A_278, %add3A_282 : vector<1024x256xf32>
    %get3A_284 = arith.constant 3840 : index
    %get3A_285 = arith.constant 0 : index
    %get3A_286 = vector.load %arg3[%get3A_284, %get3A_285] : memref<8192x256xbf16, #tpu.memory_space<vmem>>, vector<256x256xbf16>
    %dot_general3A_287 = arith.constant dense<0.000000e+00> : vector<1024x256xf32>
    %dot_general3A_288 = tpu.matmul %convert_element_type3A, %get3A_286, %dot_general3A_287 {dimension_numbers = #tpu.dot_dimension_numbers<[1], [1], [0], [0], [0, 0, 1, 0], [], []>, transpose_lhs_hint = false} : vector<1024x256xbf16>, vector<256x256xbf16>, vector<1024x256xf32> -> vector<1024x256xf32>
    %sub3A_289 = vector.broadcast %get3A_6 : vector<1024x1xf32> to vector<1024x256xf32>
    %sub3A_290 = arith.subf %sub3A_289, %dot_general3A_288 : vector<1024x256xf32>
    %get3A_291 = arith.constant 0 : index
    %get3A_292 = arith.constant 3840 : index
    %get3A_293 = vector.load %arg4[%get3A_291, %get3A_292] : memref<1x8192xf32, #tpu.memory_space<vmem>>, vector<1x256xf32>
    %add3A_294 = vector.broadcast %get3A_293 : vector<1x256xf32> to vector<1024x256xf32>
    %add3A_295 = arith.addf %sub3A_290, %add3A_294 : vector<1024x256xf32>
    %get3A_296 = arith.constant 0 : index
    %get3A_297 = arith.constant 3584 : index
    %get3A_298 = vector.load %arg5[%get3A_296, %get3A_297] : memref<1x8192xf32, #tpu.memory_space<vmem>>, vector<1x256xf32>
    %broadcast_in_dim3A_299 = vector.shape_cast %get3A_298 : vector<1x256xf32> to vector<1x256xf32>
    %broadcast_in_dim3A_300 = vector.broadcast %broadcast_in_dim3A_299 : vector<1x256xf32> to vector<1024x256xf32>
    %get3A_301 = arith.constant 0 : index
    %get3A_302 = arith.constant 3840 : index
    %get3A_303 = vector.load %arg5[%get3A_301, %get3A_302] : memref<1x8192xf32, #tpu.memory_space<vmem>>, vector<1x256xf32>
    %broadcast_in_dim3A_304 = vector.shape_cast %get3A_303 : vector<1x256xf32> to vector<1x256xf32>
    %broadcast_in_dim3A_305 = vector.broadcast %broadcast_in_dim3A_304 : vector<1x256xf32> to vector<1024x256xf32>
    %lt3A_306 = arith.cmpf olt, %add3A_295, %add3A_283 : vector<1024x256xf32>
    %select_n3A_307 = arith.select %lt3A_306, %add3A_295, %add3A_283 : vector<1024x256xi1>, vector<1024x256xf32>
    %select_n3A_308 = arith.select %lt3A_306, %broadcast_in_dim3A_305, %broadcast_in_dim3A_300 : vector<1024x256xi1>, vector<1024x256xf32>
    %lt3A_309 = arith.cmpf olt, %select_n3A_307, %select_n3A_270 : vector<1024x256xf32>
    %select_n3A_310 = arith.select %lt3A_309, %select_n3A_307, %select_n3A_270 : vector<1024x256xi1>, vector<1024x256xf32>
    %select_n3A_311 = arith.select %lt3A_309, %select_n3A_308, %select_n3A_271 : vector<1024x256xi1>, vector<1024x256xf32>
    %lt3A_312 = arith.cmpf olt, %select_n3A_310, %select_n3A_233 : vector<1024x256xf32>
    %select_n3A_313 = arith.select %lt3A_312, %select_n3A_310, %select_n3A_233 : vector<1024x256xi1>, vector<1024x256xf32>
    %select_n3A_314 = arith.select %lt3A_312, %select_n3A_311, %select_n3A_234 : vector<1024x256xi1>, vector<1024x256xf32>
    %get3A_315 = arith.constant 4096 : index
    %get3A_316 = arith.constant 0 : index
    %get3A_317 = vector.load %arg3[%get3A_315, %get3A_316] : memref<8192x256xbf16, #tpu.memory_space<vmem>>, vector<256x256xbf16>
    %dot_general3A_318 = arith.constant dense<0.000000e+00> : vector<1024x256xf32>
    %dot_general3A_319 = tpu.matmul %convert_element_type3A, %get3A_317, %dot_general3A_318 {dimension_numbers = #tpu.dot_dimension_numbers<[1], [1], [0], [0], [0, 0, 1, 0], [], []>, transpose_lhs_hint = false} : vector<1024x256xbf16>, vector<256x256xbf16>, vector<1024x256xf32> -> vector<1024x256xf32>
    %sub3A_320 = vector.broadcast %get3A_6 : vector<1024x1xf32> to vector<1024x256xf32>
    %sub3A_321 = arith.subf %sub3A_320, %dot_general3A_319 : vector<1024x256xf32>
    %get3A_322 = arith.constant 0 : index
    %get3A_323 = arith.constant 4096 : index
    %get3A_324 = vector.load %arg4[%get3A_322, %get3A_323] : memref<1x8192xf32, #tpu.memory_space<vmem>>, vector<1x256xf32>
    %add3A_325 = vector.broadcast %get3A_324 : vector<1x256xf32> to vector<1024x256xf32>
    %add3A_326 = arith.addf %sub3A_321, %add3A_325 : vector<1024x256xf32>
    %get3A_327 = arith.constant 4352 : index
    %get3A_328 = arith.constant 0 : index
    %get3A_329 = vector.load %arg3[%get3A_327, %get3A_328] : memref<8192x256xbf16, #tpu.memory_space<vmem>>, vector<256x256xbf16>
    %dot_general3A_330 = arith.constant dense<0.000000e+00> : vector<1024x256xf32>
    %dot_general3A_331 = tpu.matmul %convert_element_type3A, %get3A_329, %dot_general3A_330 {dimension_numbers = #tpu.dot_dimension_numbers<[1], [1], [0], [0], [0, 0, 1, 0], [], []>, transpose_lhs_hint = false} : vector<1024x256xbf16>, vector<256x256xbf16>, vector<1024x256xf32> -> vector<1024x256xf32>
    %sub3A_332 = vector.broadcast %get3A_6 : vector<1024x1xf32> to vector<1024x256xf32>
    %sub3A_333 = arith.subf %sub3A_332, %dot_general3A_331 : vector<1024x256xf32>
    %get3A_334 = arith.constant 0 : index
    %get3A_335 = arith.constant 4352 : index
    %get3A_336 = vector.load %arg4[%get3A_334, %get3A_335] : memref<1x8192xf32, #tpu.memory_space<vmem>>, vector<1x256xf32>
    %add3A_337 = vector.broadcast %get3A_336 : vector<1x256xf32> to vector<1024x256xf32>
    %add3A_338 = arith.addf %sub3A_333, %add3A_337 : vector<1024x256xf32>
    %get3A_339 = arith.constant 0 : index
    %get3A_340 = arith.constant 4096 : index
    %get3A_341 = vector.load %arg5[%get3A_339, %get3A_340] : memref<1x8192xf32, #tpu.memory_space<vmem>>, vector<1x256xf32>
    %broadcast_in_dim3A_342 = vector.shape_cast %get3A_341 : vector<1x256xf32> to vector<1x256xf32>
    %broadcast_in_dim3A_343 = vector.broadcast %broadcast_in_dim3A_342 : vector<1x256xf32> to vector<1024x256xf32>
    %get3A_344 = arith.constant 0 : index
    %get3A_345 = arith.constant 4352 : index
    %get3A_346 = vector.load %arg5[%get3A_344, %get3A_345] : memref<1x8192xf32, #tpu.memory_space<vmem>>, vector<1x256xf32>
    %broadcast_in_dim3A_347 = vector.shape_cast %get3A_346 : vector<1x256xf32> to vector<1x256xf32>
    %broadcast_in_dim3A_348 = vector.broadcast %broadcast_in_dim3A_347 : vector<1x256xf32> to vector<1024x256xf32>
    %lt3A_349 = arith.cmpf olt, %add3A_338, %add3A_326 : vector<1024x256xf32>
    %select_n3A_350 = arith.select %lt3A_349, %add3A_338, %add3A_326 : vector<1024x256xi1>, vector<1024x256xf32>
    %select_n3A_351 = arith.select %lt3A_349, %broadcast_in_dim3A_348, %broadcast_in_dim3A_343 : vector<1024x256xi1>, vector<1024x256xf32>
    %get3A_352 = arith.constant 4608 : index
    %get3A_353 = arith.constant 0 : index
    %get3A_354 = vector.load %arg3[%get3A_352, %get3A_353] : memref<8192x256xbf16, #tpu.memory_space<vmem>>, vector<256x256xbf16>
    %dot_general3A_355 = arith.constant dense<0.000000e+00> : vector<1024x256xf32>
    %dot_general3A_356 = tpu.matmul %convert_element_type3A, %get3A_354, %dot_general3A_355 {dimension_numbers = #tpu.dot_dimension_numbers<[1], [1], [0], [0], [0, 0, 1, 0], [], []>, transpose_lhs_hint = false} : vector<1024x256xbf16>, vector<256x256xbf16>, vector<1024x256xf32> -> vector<1024x256xf32>
    %sub3A_357 = vector.broadcast %get3A_6 : vector<1024x1xf32> to vector<1024x256xf32>
    %sub3A_358 = arith.subf %sub3A_357, %dot_general3A_356 : vector<1024x256xf32>
    %get3A_359 = arith.constant 0 : index
    %get3A_360 = arith.constant 4608 : index
    %get3A_361 = vector.load %arg4[%get3A_359, %get3A_360] : memref<1x8192xf32, #tpu.memory_space<vmem>>, vector<1x256xf32>
    %add3A_362 = vector.broadcast %get3A_361 : vector<1x256xf32> to vector<1024x256xf32>
    %add3A_363 = arith.addf %sub3A_358, %add3A_362 : vector<1024x256xf32>
    %get3A_364 = arith.constant 4864 : index
    %get3A_365 = arith.constant 0 : index
    %get3A_366 = vector.load %arg3[%get3A_364, %get3A_365] : memref<8192x256xbf16, #tpu.memory_space<vmem>>, vector<256x256xbf16>
    %dot_general3A_367 = arith.constant dense<0.000000e+00> : vector<1024x256xf32>
    %dot_general3A_368 = tpu.matmul %convert_element_type3A, %get3A_366, %dot_general3A_367 {dimension_numbers = #tpu.dot_dimension_numbers<[1], [1], [0], [0], [0, 0, 1, 0], [], []>, transpose_lhs_hint = false} : vector<1024x256xbf16>, vector<256x256xbf16>, vector<1024x256xf32> -> vector<1024x256xf32>
    %sub3A_369 = vector.broadcast %get3A_6 : vector<1024x1xf32> to vector<1024x256xf32>
    %sub3A_370 = arith.subf %sub3A_369, %dot_general3A_368 : vector<1024x256xf32>
    %get3A_371 = arith.constant 0 : index
    %get3A_372 = arith.constant 4864 : index
    %get3A_373 = vector.load %arg4[%get3A_371, %get3A_372] : memref<1x8192xf32, #tpu.memory_space<vmem>>, vector<1x256xf32>
    %add3A_374 = vector.broadcast %get3A_373 : vector<1x256xf32> to vector<1024x256xf32>
    %add3A_375 = arith.addf %sub3A_370, %add3A_374 : vector<1024x256xf32>
    %get3A_376 = arith.constant 0 : index
    %get3A_377 = arith.constant 4608 : index
    %get3A_378 = vector.load %arg5[%get3A_376, %get3A_377] : memref<1x8192xf32, #tpu.memory_space<vmem>>, vector<1x256xf32>
    %broadcast_in_dim3A_379 = vector.shape_cast %get3A_378 : vector<1x256xf32> to vector<1x256xf32>
    %broadcast_in_dim3A_380 = vector.broadcast %broadcast_in_dim3A_379 : vector<1x256xf32> to vector<1024x256xf32>
    %get3A_381 = arith.constant 0 : index
    %get3A_382 = arith.constant 4864 : index
    %get3A_383 = vector.load %arg5[%get3A_381, %get3A_382] : memref<1x8192xf32, #tpu.memory_space<vmem>>, vector<1x256xf32>
    %broadcast_in_dim3A_384 = vector.shape_cast %get3A_383 : vector<1x256xf32> to vector<1x256xf32>
    %broadcast_in_dim3A_385 = vector.broadcast %broadcast_in_dim3A_384 : vector<1x256xf32> to vector<1024x256xf32>
    %lt3A_386 = arith.cmpf olt, %add3A_375, %add3A_363 : vector<1024x256xf32>
    %select_n3A_387 = arith.select %lt3A_386, %add3A_375, %add3A_363 : vector<1024x256xi1>, vector<1024x256xf32>
    %select_n3A_388 = arith.select %lt3A_386, %broadcast_in_dim3A_385, %broadcast_in_dim3A_380 : vector<1024x256xi1>, vector<1024x256xf32>
    %lt3A_389 = arith.cmpf olt, %select_n3A_387, %select_n3A_350 : vector<1024x256xf32>
    %select_n3A_390 = arith.select %lt3A_389, %select_n3A_387, %select_n3A_350 : vector<1024x256xi1>, vector<1024x256xf32>
    %select_n3A_391 = arith.select %lt3A_389, %select_n3A_388, %select_n3A_351 : vector<1024x256xi1>, vector<1024x256xf32>
    %get3A_392 = arith.constant 5120 : index
    %get3A_393 = arith.constant 0 : index
    %get3A_394 = vector.load %arg3[%get3A_392, %get3A_393] : memref<8192x256xbf16, #tpu.memory_space<vmem>>, vector<256x256xbf16>
    %dot_general3A_395 = arith.constant dense<0.000000e+00> : vector<1024x256xf32>
    %dot_general3A_396 = tpu.matmul %convert_element_type3A, %get3A_394, %dot_general3A_395 {dimension_numbers = #tpu.dot_dimension_numbers<[1], [1], [0], [0], [0, 0, 1, 0], [], []>, transpose_lhs_hint = false} : vector<1024x256xbf16>, vector<256x256xbf16>, vector<1024x256xf32> -> vector<1024x256xf32>
    %sub3A_397 = vector.broadcast %get3A_6 : vector<1024x1xf32> to vector<1024x256xf32>
    %sub3A_398 = arith.subf %sub3A_397, %dot_general3A_396 : vector<1024x256xf32>
    %get3A_399 = arith.constant 0 : index
    %get3A_400 = arith.constant 5120 : index
    %get3A_401 = vector.load %arg4[%get3A_399, %get3A_400] : memref<1x8192xf32, #tpu.memory_space<vmem>>, vector<1x256xf32>
    %add3A_402 = vector.broadcast %get3A_401 : vector<1x256xf32> to vector<1024x256xf32>
    %add3A_403 = arith.addf %sub3A_398, %add3A_402 : vector<1024x256xf32>
    %get3A_404 = arith.constant 5376 : index
    %get3A_405 = arith.constant 0 : index
    %get3A_406 = vector.load %arg3[%get3A_404, %get3A_405] : memref<8192x256xbf16, #tpu.memory_space<vmem>>, vector<256x256xbf16>
    %dot_general3A_407 = arith.constant dense<0.000000e+00> : vector<1024x256xf32>
    %dot_general3A_408 = tpu.matmul %convert_element_type3A, %get3A_406, %dot_general3A_407 {dimension_numbers = #tpu.dot_dimension_numbers<[1], [1], [0], [0], [0, 0, 1, 0], [], []>, transpose_lhs_hint = false} : vector<1024x256xbf16>, vector<256x256xbf16>, vector<1024x256xf32> -> vector<1024x256xf32>
    %sub3A_409 = vector.broadcast %get3A_6 : vector<1024x1xf32> to vector<1024x256xf32>
    %sub3A_410 = arith.subf %sub3A_409, %dot_general3A_408 : vector<1024x256xf32>
    %get3A_411 = arith.constant 0 : index
    %get3A_412 = arith.constant 5376 : index
    %get3A_413 = vector.load %arg4[%get3A_411, %get3A_412] : memref<1x8192xf32, #tpu.memory_space<vmem>>, vector<1x256xf32>
    %add3A_414 = vector.broadcast %get3A_413 : vector<1x256xf32> to vector<1024x256xf32>
    %add3A_415 = arith.addf %sub3A_410, %add3A_414 : vector<1024x256xf32>
    %get3A_416 = arith.constant 0 : index
    %get3A_417 = arith.constant 5120 : index
    %get3A_418 = vector.load %arg5[%get3A_416, %get3A_417] : memref<1x8192xf32, #tpu.memory_space<vmem>>, vector<1x256xf32>
    %broadcast_in_dim3A_419 = vector.shape_cast %get3A_418 : vector<1x256xf32> to vector<1x256xf32>
    %broadcast_in_dim3A_420 = vector.broadcast %broadcast_in_dim3A_419 : vector<1x256xf32> to vector<1024x256xf32>
    %get3A_421 = arith.constant 0 : index
    %get3A_422 = arith.constant 5376 : index
    %get3A_423 = vector.load %arg5[%get3A_421, %get3A_422] : memref<1x8192xf32, #tpu.memory_space<vmem>>, vector<1x256xf32>
    %broadcast_in_dim3A_424 = vector.shape_cast %get3A_423 : vector<1x256xf32> to vector<1x256xf32>
    %broadcast_in_dim3A_425 = vector.broadcast %broadcast_in_dim3A_424 : vector<1x256xf32> to vector<1024x256xf32>
    %lt3A_426 = arith.cmpf olt, %add3A_415, %add3A_403 : vector<1024x256xf32>
    %select_n3A_427 = arith.select %lt3A_426, %add3A_415, %add3A_403 : vector<1024x256xi1>, vector<1024x256xf32>
    %select_n3A_428 = arith.select %lt3A_426, %broadcast_in_dim3A_425, %broadcast_in_dim3A_420 : vector<1024x256xi1>, vector<1024x256xf32>
    %get3A_429 = arith.constant 5632 : index
    %get3A_430 = arith.constant 0 : index
    %get3A_431 = vector.load %arg3[%get3A_429, %get3A_430] : memref<8192x256xbf16, #tpu.memory_space<vmem>>, vector<256x256xbf16>
    %dot_general3A_432 = arith.constant dense<0.000000e+00> : vector<1024x256xf32>
    %dot_general3A_433 = tpu.matmul %convert_element_type3A, %get3A_431, %dot_general3A_432 {dimension_numbers = #tpu.dot_dimension_numbers<[1], [1], [0], [0], [0, 0, 1, 0], [], []>, transpose_lhs_hint = false} : vector<1024x256xbf16>, vector<256x256xbf16>, vector<1024x256xf32> -> vector<1024x256xf32>
    %sub3A_434 = vector.broadcast %get3A_6 : vector<1024x1xf32> to vector<1024x256xf32>
    %sub3A_435 = arith.subf %sub3A_434, %dot_general3A_433 : vector<1024x256xf32>
    %get3A_436 = arith.constant 0 : index
    %get3A_437 = arith.constant 5632 : index
    %get3A_438 = vector.load %arg4[%get3A_436, %get3A_437] : memref<1x8192xf32, #tpu.memory_space<vmem>>, vector<1x256xf32>
    %add3A_439 = vector.broadcast %get3A_438 : vector<1x256xf32> to vector<1024x256xf32>
    %add3A_440 = arith.addf %sub3A_435, %add3A_439 : vector<1024x256xf32>
    %get3A_441 = arith.constant 5888 : index
    %get3A_442 = arith.constant 0 : index
    %get3A_443 = vector.load %arg3[%get3A_441, %get3A_442] : memref<8192x256xbf16, #tpu.memory_space<vmem>>, vector<256x256xbf16>
    %dot_general3A_444 = arith.constant dense<0.000000e+00> : vector<1024x256xf32>
    %dot_general3A_445 = tpu.matmul %convert_element_type3A, %get3A_443, %dot_general3A_444 {dimension_numbers = #tpu.dot_dimension_numbers<[1], [1], [0], [0], [0, 0, 1, 0], [], []>, transpose_lhs_hint = false} : vector<1024x256xbf16>, vector<256x256xbf16>, vector<1024x256xf32> -> vector<1024x256xf32>
    %sub3A_446 = vector.broadcast %get3A_6 : vector<1024x1xf32> to vector<1024x256xf32>
    %sub3A_447 = arith.subf %sub3A_446, %dot_general3A_445 : vector<1024x256xf32>
    %get3A_448 = arith.constant 0 : index
    %get3A_449 = arith.constant 5888 : index
    %get3A_450 = vector.load %arg4[%get3A_448, %get3A_449] : memref<1x8192xf32, #tpu.memory_space<vmem>>, vector<1x256xf32>
    %add3A_451 = vector.broadcast %get3A_450 : vector<1x256xf32> to vector<1024x256xf32>
    %add3A_452 = arith.addf %sub3A_447, %add3A_451 : vector<1024x256xf32>
    %get3A_453 = arith.constant 0 : index
    %get3A_454 = arith.constant 5632 : index
    %get3A_455 = vector.load %arg5[%get3A_453, %get3A_454] : memref<1x8192xf32, #tpu.memory_space<vmem>>, vector<1x256xf32>
    %broadcast_in_dim3A_456 = vector.shape_cast %get3A_455 : vector<1x256xf32> to vector<1x256xf32>
    %broadcast_in_dim3A_457 = vector.broadcast %broadcast_in_dim3A_456 : vector<1x256xf32> to vector<1024x256xf32>
    %get3A_458 = arith.constant 0 : index
    %get3A_459 = arith.constant 5888 : index
    %get3A_460 = vector.load %arg5[%get3A_458, %get3A_459] : memref<1x8192xf32, #tpu.memory_space<vmem>>, vector<1x256xf32>
    %broadcast_in_dim3A_461 = vector.shape_cast %get3A_460 : vector<1x256xf32> to vector<1x256xf32>
    %broadcast_in_dim3A_462 = vector.broadcast %broadcast_in_dim3A_461 : vector<1x256xf32> to vector<1024x256xf32>
    %lt3A_463 = arith.cmpf olt, %add3A_452, %add3A_440 : vector<1024x256xf32>
    %select_n3A_464 = arith.select %lt3A_463, %add3A_452, %add3A_440 : vector<1024x256xi1>, vector<1024x256xf32>
    %select_n3A_465 = arith.select %lt3A_463, %broadcast_in_dim3A_462, %broadcast_in_dim3A_457 : vector<1024x256xi1>, vector<1024x256xf32>
    %lt3A_466 = arith.cmpf olt, %select_n3A_464, %select_n3A_427 : vector<1024x256xf32>
    %select_n3A_467 = arith.select %lt3A_466, %select_n3A_464, %select_n3A_427 : vector<1024x256xi1>, vector<1024x256xf32>
    %select_n3A_468 = arith.select %lt3A_466, %select_n3A_465, %select_n3A_428 : vector<1024x256xi1>, vector<1024x256xf32>
    %lt3A_469 = arith.cmpf olt, %select_n3A_467, %select_n3A_390 : vector<1024x256xf32>
    %select_n3A_470 = arith.select %lt3A_469, %select_n3A_467, %select_n3A_390 : vector<1024x256xi1>, vector<1024x256xf32>
    %select_n3A_471 = arith.select %lt3A_469, %select_n3A_468, %select_n3A_391 : vector<1024x256xi1>, vector<1024x256xf32>
    %get3A_472 = arith.constant 6144 : index
    %get3A_473 = arith.constant 0 : index
    %get3A_474 = vector.load %arg3[%get3A_472, %get3A_473] : memref<8192x256xbf16, #tpu.memory_space<vmem>>, vector<256x256xbf16>
    %dot_general3A_475 = arith.constant dense<0.000000e+00> : vector<1024x256xf32>
    %dot_general3A_476 = tpu.matmul %convert_element_type3A, %get3A_474, %dot_general3A_475 {dimension_numbers = #tpu.dot_dimension_numbers<[1], [1], [0], [0], [0, 0, 1, 0], [], []>, transpose_lhs_hint = false} : vector<1024x256xbf16>, vector<256x256xbf16>, vector<1024x256xf32> -> vector<1024x256xf32>
    %sub3A_477 = vector.broadcast %get3A_6 : vector<1024x1xf32> to vector<1024x256xf32>
    %sub3A_478 = arith.subf %sub3A_477, %dot_general3A_476 : vector<1024x256xf32>
    %get3A_479 = arith.constant 0 : index
    %get3A_480 = arith.constant 6144 : index
    %get3A_481 = vector.load %arg4[%get3A_479, %get3A_480] : memref<1x8192xf32, #tpu.memory_space<vmem>>, vector<1x256xf32>
    %add3A_482 = vector.broadcast %get3A_481 : vector<1x256xf32> to vector<1024x256xf32>
    %add3A_483 = arith.addf %sub3A_478, %add3A_482 : vector<1024x256xf32>
    %get3A_484 = arith.constant 6400 : index
    %get3A_485 = arith.constant 0 : index
    %get3A_486 = vector.load %arg3[%get3A_484, %get3A_485] : memref<8192x256xbf16, #tpu.memory_space<vmem>>, vector<256x256xbf16>
    %dot_general3A_487 = arith.constant dense<0.000000e+00> : vector<1024x256xf32>
    %dot_general3A_488 = tpu.matmul %convert_element_type3A, %get3A_486, %dot_general3A_487 {dimension_numbers = #tpu.dot_dimension_numbers<[1], [1], [0], [0], [0, 0, 1, 0], [], []>, transpose_lhs_hint = false} : vector<1024x256xbf16>, vector<256x256xbf16>, vector<1024x256xf32> -> vector<1024x256xf32>
    %sub3A_489 = vector.broadcast %get3A_6 : vector<1024x1xf32> to vector<1024x256xf32>
    %sub3A_490 = arith.subf %sub3A_489, %dot_general3A_488 : vector<1024x256xf32>
    %get3A_491 = arith.constant 0 : index
    %get3A_492 = arith.constant 6400 : index
    %get3A_493 = vector.load %arg4[%get3A_491, %get3A_492] : memref<1x8192xf32, #tpu.memory_space<vmem>>, vector<1x256xf32>
    %add3A_494 = vector.broadcast %get3A_493 : vector<1x256xf32> to vector<1024x256xf32>
    %add3A_495 = arith.addf %sub3A_490, %add3A_494 : vector<1024x256xf32>
    %get3A_496 = arith.constant 0 : index
    %get3A_497 = arith.constant 6144 : index
    %get3A_498 = vector.load %arg5[%get3A_496, %get3A_497] : memref<1x8192xf32, #tpu.memory_space<vmem>>, vector<1x256xf32>
    %broadcast_in_dim3A_499 = vector.shape_cast %get3A_498 : vector<1x256xf32> to vector<1x256xf32>
    %broadcast_in_dim3A_500 = vector.broadcast %broadcast_in_dim3A_499 : vector<1x256xf32> to vector<1024x256xf32>
    %get3A_501 = arith.constant 0 : index
    %get3A_502 = arith.constant 6400 : index
    %get3A_503 = vector.load %arg5[%get3A_501, %get3A_502] : memref<1x8192xf32, #tpu.memory_space<vmem>>, vector<1x256xf32>
    %broadcast_in_dim3A_504 = vector.shape_cast %get3A_503 : vector<1x256xf32> to vector<1x256xf32>
    %broadcast_in_dim3A_505 = vector.broadcast %broadcast_in_dim3A_504 : vector<1x256xf32> to vector<1024x256xf32>
    %lt3A_506 = arith.cmpf olt, %add3A_495, %add3A_483 : vector<1024x256xf32>
    %select_n3A_507 = arith.select %lt3A_506, %add3A_495, %add3A_483 : vector<1024x256xi1>, vector<1024x256xf32>
    %select_n3A_508 = arith.select %lt3A_506, %broadcast_in_dim3A_505, %broadcast_in_dim3A_500 : vector<1024x256xi1>, vector<1024x256xf32>
    %get3A_509 = arith.constant 6656 : index
    %get3A_510 = arith.constant 0 : index
    %get3A_511 = vector.load %arg3[%get3A_509, %get3A_510] : memref<8192x256xbf16, #tpu.memory_space<vmem>>, vector<256x256xbf16>
    %dot_general3A_512 = arith.constant dense<0.000000e+00> : vector<1024x256xf32>
    %dot_general3A_513 = tpu.matmul %convert_element_type3A, %get3A_511, %dot_general3A_512 {dimension_numbers = #tpu.dot_dimension_numbers<[1], [1], [0], [0], [0, 0, 1, 0], [], []>, transpose_lhs_hint = false} : vector<1024x256xbf16>, vector<256x256xbf16>, vector<1024x256xf32> -> vector<1024x256xf32>
    %sub3A_514 = vector.broadcast %get3A_6 : vector<1024x1xf32> to vector<1024x256xf32>
    %sub3A_515 = arith.subf %sub3A_514, %dot_general3A_513 : vector<1024x256xf32>
    %get3A_516 = arith.constant 0 : index
    %get3A_517 = arith.constant 6656 : index
    %get3A_518 = vector.load %arg4[%get3A_516, %get3A_517] : memref<1x8192xf32, #tpu.memory_space<vmem>>, vector<1x256xf32>
    %add3A_519 = vector.broadcast %get3A_518 : vector<1x256xf32> to vector<1024x256xf32>
    %add3A_520 = arith.addf %sub3A_515, %add3A_519 : vector<1024x256xf32>
    %get3A_521 = arith.constant 6912 : index
    %get3A_522 = arith.constant 0 : index
    %get3A_523 = vector.load %arg3[%get3A_521, %get3A_522] : memref<8192x256xbf16, #tpu.memory_space<vmem>>, vector<256x256xbf16>
    %dot_general3A_524 = arith.constant dense<0.000000e+00> : vector<1024x256xf32>
    %dot_general3A_525 = tpu.matmul %convert_element_type3A, %get3A_523, %dot_general3A_524 {dimension_numbers = #tpu.dot_dimension_numbers<[1], [1], [0], [0], [0, 0, 1, 0], [], []>, transpose_lhs_hint = false} : vector<1024x256xbf16>, vector<256x256xbf16>, vector<1024x256xf32> -> vector<1024x256xf32>
    %sub3A_526 = vector.broadcast %get3A_6 : vector<1024x1xf32> to vector<1024x256xf32>
    %sub3A_527 = arith.subf %sub3A_526, %dot_general3A_525 : vector<1024x256xf32>
    %get3A_528 = arith.constant 0 : index
    %get3A_529 = arith.constant 6912 : index
    %get3A_530 = vector.load %arg4[%get3A_528, %get3A_529] : memref<1x8192xf32, #tpu.memory_space<vmem>>, vector<1x256xf32>
    %add3A_531 = vector.broadcast %get3A_530 : vector<1x256xf32> to vector<1024x256xf32>
    %add3A_532 = arith.addf %sub3A_527, %add3A_531 : vector<1024x256xf32>
    %get3A_533 = arith.constant 0 : index
    %get3A_534 = arith.constant 6656 : index
    %get3A_535 = vector.load %arg5[%get3A_533, %get3A_534] : memref<1x8192xf32, #tpu.memory_space<vmem>>, vector<1x256xf32>
    %broadcast_in_dim3A_536 = vector.shape_cast %get3A_535 : vector<1x256xf32> to vector<1x256xf32>
    %broadcast_in_dim3A_537 = vector.broadcast %broadcast_in_dim3A_536 : vector<1x256xf32> to vector<1024x256xf32>
    %get3A_538 = arith.constant 0 : index
    %get3A_539 = arith.constant 6912 : index
    %get3A_540 = vector.load %arg5[%get3A_538, %get3A_539] : memref<1x8192xf32, #tpu.memory_space<vmem>>, vector<1x256xf32>
    %broadcast_in_dim3A_541 = vector.shape_cast %get3A_540 : vector<1x256xf32> to vector<1x256xf32>
    %broadcast_in_dim3A_542 = vector.broadcast %broadcast_in_dim3A_541 : vector<1x256xf32> to vector<1024x256xf32>
    %lt3A_543 = arith.cmpf olt, %add3A_532, %add3A_520 : vector<1024x256xf32>
    %select_n3A_544 = arith.select %lt3A_543, %add3A_532, %add3A_520 : vector<1024x256xi1>, vector<1024x256xf32>
    %select_n3A_545 = arith.select %lt3A_543, %broadcast_in_dim3A_542, %broadcast_in_dim3A_537 : vector<1024x256xi1>, vector<1024x256xf32>
    %lt3A_546 = arith.cmpf olt, %select_n3A_544, %select_n3A_507 : vector<1024x256xf32>
    %select_n3A_547 = arith.select %lt3A_546, %select_n3A_544, %select_n3A_507 : vector<1024x256xi1>, vector<1024x256xf32>
    %select_n3A_548 = arith.select %lt3A_546, %select_n3A_545, %select_n3A_508 : vector<1024x256xi1>, vector<1024x256xf32>
    %get3A_549 = arith.constant 7168 : index
    %get3A_550 = arith.constant 0 : index
    %get3A_551 = vector.load %arg3[%get3A_549, %get3A_550] : memref<8192x256xbf16, #tpu.memory_space<vmem>>, vector<256x256xbf16>
    %dot_general3A_552 = arith.constant dense<0.000000e+00> : vector<1024x256xf32>
    %dot_general3A_553 = tpu.matmul %convert_element_type3A, %get3A_551, %dot_general3A_552 {dimension_numbers = #tpu.dot_dimension_numbers<[1], [1], [0], [0], [0, 0, 1, 0], [], []>, transpose_lhs_hint = false} : vector<1024x256xbf16>, vector<256x256xbf16>, vector<1024x256xf32> -> vector<1024x256xf32>
    %sub3A_554 = vector.broadcast %get3A_6 : vector<1024x1xf32> to vector<1024x256xf32>
    %sub3A_555 = arith.subf %sub3A_554, %dot_general3A_553 : vector<1024x256xf32>
    %get3A_556 = arith.constant 0 : index
    %get3A_557 = arith.constant 7168 : index
    %get3A_558 = vector.load %arg4[%get3A_556, %get3A_557] : memref<1x8192xf32, #tpu.memory_space<vmem>>, vector<1x256xf32>
    %add3A_559 = vector.broadcast %get3A_558 : vector<1x256xf32> to vector<1024x256xf32>
    %add3A_560 = arith.addf %sub3A_555, %add3A_559 : vector<1024x256xf32>
    %get3A_561 = arith.constant 7424 : index
    %get3A_562 = arith.constant 0 : index
    %get3A_563 = vector.load %arg3[%get3A_561, %get3A_562] : memref<8192x256xbf16, #tpu.memory_space<vmem>>, vector<256x256xbf16>
    %dot_general3A_564 = arith.constant dense<0.000000e+00> : vector<1024x256xf32>
    %dot_general3A_565 = tpu.matmul %convert_element_type3A, %get3A_563, %dot_general3A_564 {dimension_numbers = #tpu.dot_dimension_numbers<[1], [1], [0], [0], [0, 0, 1, 0], [], []>, transpose_lhs_hint = false} : vector<1024x256xbf16>, vector<256x256xbf16>, vector<1024x256xf32> -> vector<1024x256xf32>
    %sub3A_566 = vector.broadcast %get3A_6 : vector<1024x1xf32> to vector<1024x256xf32>
    %sub3A_567 = arith.subf %sub3A_566, %dot_general3A_565 : vector<1024x256xf32>
    %get3A_568 = arith.constant 0 : index
    %get3A_569 = arith.constant 7424 : index
    %get3A_570 = vector.load %arg4[%get3A_568, %get3A_569] : memref<1x8192xf32, #tpu.memory_space<vmem>>, vector<1x256xf32>
    %add3A_571 = vector.broadcast %get3A_570 : vector<1x256xf32> to vector<1024x256xf32>
    %add3A_572 = arith.addf %sub3A_567, %add3A_571 : vector<1024x256xf32>
    %get3A_573 = arith.constant 0 : index
    %get3A_574 = arith.constant 7168 : index
    %get3A_575 = vector.load %arg5[%get3A_573, %get3A_574] : memref<1x8192xf32, #tpu.memory_space<vmem>>, vector<1x256xf32>
    %broadcast_in_dim3A_576 = vector.shape_cast %get3A_575 : vector<1x256xf32> to vector<1x256xf32>
    %broadcast_in_dim3A_577 = vector.broadcast %broadcast_in_dim3A_576 : vector<1x256xf32> to vector<1024x256xf32>
    %get3A_578 = arith.constant 0 : index
    %get3A_579 = arith.constant 7424 : index
    %get3A_580 = vector.load %arg5[%get3A_578, %get3A_579] : memref<1x8192xf32, #tpu.memory_space<vmem>>, vector<1x256xf32>
    %broadcast_in_dim3A_581 = vector.shape_cast %get3A_580 : vector<1x256xf32> to vector<1x256xf32>
    %broadcast_in_dim3A_582 = vector.broadcast %broadcast_in_dim3A_581 : vector<1x256xf32> to vector<1024x256xf32>
    %lt3A_583 = arith.cmpf olt, %add3A_572, %add3A_560 : vector<1024x256xf32>
    %select_n3A_584 = arith.select %lt3A_583, %add3A_572, %add3A_560 : vector<1024x256xi1>, vector<1024x256xf32>
    %select_n3A_585 = arith.select %lt3A_583, %broadcast_in_dim3A_582, %broadcast_in_dim3A_577 : vector<1024x256xi1>, vector<1024x256xf32>
    %get3A_586 = arith.constant 7680 : index
    %get3A_587 = arith.constant 0 : index
    %get3A_588 = vector.load %arg3[%get3A_586, %get3A_587] : memref<8192x256xbf16, #tpu.memory_space<vmem>>, vector<256x256xbf16>
    %dot_general3A_589 = arith.constant dense<0.000000e+00> : vector<1024x256xf32>
    %dot_general3A_590 = tpu.matmul %convert_element_type3A, %get3A_588, %dot_general3A_589 {dimension_numbers = #tpu.dot_dimension_numbers<[1], [1], [0], [0], [0, 0, 1, 0], [], []>, transpose_lhs_hint = false} : vector<1024x256xbf16>, vector<256x256xbf16>, vector<1024x256xf32> -> vector<1024x256xf32>
    %sub3A_591 = vector.broadcast %get3A_6 : vector<1024x1xf32> to vector<1024x256xf32>
    %sub3A_592 = arith.subf %sub3A_591, %dot_general3A_590 : vector<1024x256xf32>
    %get3A_593 = arith.constant 0 : index
    %get3A_594 = arith.constant 7680 : index
    %get3A_595 = vector.load %arg4[%get3A_593, %get3A_594] : memref<1x8192xf32, #tpu.memory_space<vmem>>, vector<1x256xf32>
    %add3A_596 = vector.broadcast %get3A_595 : vector<1x256xf32> to vector<1024x256xf32>
    %add3A_597 = arith.addf %sub3A_592, %add3A_596 : vector<1024x256xf32>
    %get3A_598 = arith.constant 7936 : index
    %get3A_599 = arith.constant 0 : index
    %get3A_600 = vector.load %arg3[%get3A_598, %get3A_599] : memref<8192x256xbf16, #tpu.memory_space<vmem>>, vector<256x256xbf16>
    %dot_general3A_601 = arith.constant dense<0.000000e+00> : vector<1024x256xf32>
    %dot_general3A_602 = tpu.matmul %convert_element_type3A, %get3A_600, %dot_general3A_601 {dimension_numbers = #tpu.dot_dimension_numbers<[1], [1], [0], [0], [0, 0, 1, 0], [], []>, transpose_lhs_hint = false} : vector<1024x256xbf16>, vector<256x256xbf16>, vector<1024x256xf32> -> vector<1024x256xf32>
    %sub3A_603 = vector.broadcast %get3A_6 : vector<1024x1xf32> to vector<1024x256xf32>
    %sub3A_604 = arith.subf %sub3A_603, %dot_general3A_602 : vector<1024x256xf32>
    %get3A_605 = arith.constant 0 : index
    %get3A_606 = arith.constant 7936 : index
    %get3A_607 = vector.load %arg4[%get3A_605, %get3A_606] : memref<1x8192xf32, #tpu.memory_space<vmem>>, vector<1x256xf32>
    %add3A_608 = vector.broadcast %get3A_607 : vector<1x256xf32> to vector<1024x256xf32>
    %add3A_609 = arith.addf %sub3A_604, %add3A_608 : vector<1024x256xf32>
    %get3A_610 = arith.constant 0 : index
    %get3A_611 = arith.constant 7680 : index
    %get3A_612 = vector.load %arg5[%get3A_610, %get3A_611] : memref<1x8192xf32, #tpu.memory_space<vmem>>, vector<1x256xf32>
    %broadcast_in_dim3A_613 = vector.shape_cast %get3A_612 : vector<1x256xf32> to vector<1x256xf32>
    %broadcast_in_dim3A_614 = vector.broadcast %broadcast_in_dim3A_613 : vector<1x256xf32> to vector<1024x256xf32>
    %get3A_615 = arith.constant 0 : index
    %get3A_616 = arith.constant 7936 : index
    %get3A_617 = vector.load %arg5[%get3A_615, %get3A_616] : memref<1x8192xf32, #tpu.memory_space<vmem>>, vector<1x256xf32>
    %broadcast_in_dim3A_618 = vector.shape_cast %get3A_617 : vector<1x256xf32> to vector<1x256xf32>
    %broadcast_in_dim3A_619 = vector.broadcast %broadcast_in_dim3A_618 : vector<1x256xf32> to vector<1024x256xf32>
    %lt3A_620 = arith.cmpf olt, %add3A_609, %add3A_597 : vector<1024x256xf32>
    %select_n3A_621 = arith.select %lt3A_620, %add3A_609, %add3A_597 : vector<1024x256xi1>, vector<1024x256xf32>
    %select_n3A_622 = arith.select %lt3A_620, %broadcast_in_dim3A_619, %broadcast_in_dim3A_614 : vector<1024x256xi1>, vector<1024x256xf32>
    %lt3A_623 = arith.cmpf olt, %select_n3A_621, %select_n3A_584 : vector<1024x256xf32>
    %select_n3A_624 = arith.select %lt3A_623, %select_n3A_621, %select_n3A_584 : vector<1024x256xi1>, vector<1024x256xf32>
    %select_n3A_625 = arith.select %lt3A_623, %select_n3A_622, %select_n3A_585 : vector<1024x256xi1>, vector<1024x256xf32>
    %lt3A_626 = arith.cmpf olt, %select_n3A_624, %select_n3A_547 : vector<1024x256xf32>
    %select_n3A_627 = arith.select %lt3A_626, %select_n3A_624, %select_n3A_547 : vector<1024x256xi1>, vector<1024x256xf32>
    %select_n3A_628 = arith.select %lt3A_626, %select_n3A_625, %select_n3A_548 : vector<1024x256xi1>, vector<1024x256xf32>
    %lt3A_629 = arith.cmpf olt, %select_n3A_313, %select_n3A_156 : vector<1024x256xf32>
    %select_n3A_630 = arith.select %lt3A_629, %select_n3A_313, %select_n3A_156 : vector<1024x256xi1>, vector<1024x256xf32>
    %select_n3A_631 = arith.select %lt3A_629, %select_n3A_314, %select_n3A_157 : vector<1024x256xi1>, vector<1024x256xf32>
    %lt3A_632 = arith.cmpf olt, %select_n3A_627, %select_n3A_470 : vector<1024x256xf32>
    %select_n3A_633 = arith.select %lt3A_632, %select_n3A_627, %select_n3A_470 : vector<1024x256xi1>, vector<1024x256xf32>
    %select_n3A_634 = arith.select %lt3A_632, %select_n3A_628, %select_n3A_471 : vector<1024x256xi1>, vector<1024x256xf32>
    %lt3A_635 = arith.cmpf olt, %select_n3A_633, %select_n3A_630 : vector<1024x256xf32>
    %select_n3A_636 = arith.select %lt3A_635, %select_n3A_633, %select_n3A_630 : vector<1024x256xi1>, vector<1024x256xf32>
    %select_n3A_637 = arith.select %lt3A_635, %select_n3A_634, %select_n3A_631 : vector<1024x256xi1>, vector<1024x256xf32>
    %reduce_min3A = arith.constant dense<0x7F800000> : vector<1024xf32>
    %reduce_min3A_638 = vector.multi_reduction <minimumf>, %select_n3A_636, %reduce_min3A [1] : vector<1024x256xf32> to vector<1024xf32>
    %broadcast_in_dim3A_639 = vector.shape_cast %reduce_min3A_638 : vector<1024xf32> to vector<1024x1xf32>
    %eq3A = vector.broadcast %broadcast_in_dim3A_639 : vector<1024x1xf32> to vector<1024x256xf32>
    %eq3A_640 = arith.cmpf oeq, %select_n3A_636, %eq3A : vector<1024x256xf32>
    %jit3A = arith.constant 8.192000e+03 : f32
    %broadcast_in_dim3A_641 = vector.broadcast %jit3A : f32 to vector<1024x256xf32>
    %select_n3A_642 = arith.select %eq3A_640, %select_n3A_637, %broadcast_in_dim3A_641 : vector<1024x256xi1>, vector<1024x256xf32>
    %reduce_min3A_643 = arith.constant dense<0x7F800000> : vector<1024xf32>
    %reduce_min3A_644 = vector.multi_reduction <minimumf>, %select_n3A_642, %reduce_min3A_643 [1] : vector<1024x256xf32> to vector<1024xf32>
    %reshape3A = vector.shape_cast %reduce_min3A_644 : vector<1024xf32> to vector<1024x1xf32>
    %convert_element_type3A_645 = arith.fptosi %reshape3A : vector<1024x1xf32> to vector<1024x1xi32>
    %swap3A = arith.constant 0 : index
    %swap3A_646 = arith.constant 0 : index
    %swap3A_647 = vector.load %arg6[%swap3A, %swap3A_646] : memref<1024x1xi32, #tpu.memory_space<vmem>>, vector<1024x1xi32>
    tpu.vector_store %arg6[%swap3A, %swap3A_646], %convert_element_type3A_645 {strides = array<i32>} : memref<1024x1xi32, #tpu.memory_space<vmem>>, vector<1024x1xi32>,
    return
  }
  func.func @transform_0(%arg0: i32) -> (i32, i32) {
    %c0_i32 = arith.constant 0 : i32
    %c0_i32_0 = arith.constant 0 : i32
    return %arg0, %c0_i32 : i32, i32
  }
  func.func @transform_1(%arg0: i32) -> (i32, i32) {
    %c0_i32 = arith.constant 0 : i32
    %c0_i32_0 = arith.constant 0 : i32
    return %arg0, %c0_i32 : i32, i32
  }
  func.func @transform_2(%arg0: i32) -> (i32, i32) {
    %c0_i32 = arith.constant 0 : i32
    %c0_i32_0 = arith.constant 0 : i32
    %c0_i32_1 = arith.constant 0 : i32
    return %c0_i32, %c0_i32_0 : i32, i32
  }
  func.func @transform_3(%arg0: i32) -> (i32, i32) {
    %c0_i32 = arith.constant 0 : i32
    %c0_i32_0 = arith.constant 0 : i32
    %c0_i32_1 = arith.constant 0 : i32
    return %c0_i32, %c0_i32_0 : i32, i32
  }
  func.func @transform_4(%arg0: i32) -> (i32, i32) {
    %c0_i32 = arith.constant 0 : i32
    %c0_i32_0 = arith.constant 0 : i32
    %c0_i32_1 = arith.constant 0 : i32
    return %c0_i32, %c0_i32_0 : i32, i32
  }
  func.func @transform_5(%arg0: i32) -> (i32, i32) {
    %c0_i32 = arith.constant 0 : i32
    %c0_i32_0 = arith.constant 0 : i32
    return %arg0, %c0_i32 : i32, i32
  }
}

</mosaic_0001>

<sc_bundles>
// kernel: kernel.4.cloned.1.call-start
scs
__scs_entry_jumppad:
0x0: {  	(pc) =	sbr.rel $0x88, $3  }
0x1: {  	(tag) =	ssettag $0x0;
	lr =	simm.s32 $0x1  }
0x2: {  	[smem:$0x3F9F] =	sst lr;
	_ =	strace $0xD0000000  }
0x3: {  	_ = 	snop  }
0x4: {  	_ = 	snop  }
0x5: {  	_ = 	snop  }
0x6: {  	_ = 	snop  }
0x7: {  	_ = 	snop  }
__scs_overlays_trampoline_lowered:
0x8: {  	[smem:$0x3FAE] =	sst s0  }
0x9: {  	[smem:$0x3FAF] =	sst s1  }
0xa: {  	[smem:$0x3FB0] =	sst s2  }
0xb: {  	[smem:$0x3FB1] =	sst s3  }
0xc: {  	[smem:$0x3FB2] =	sst s4  }
0xd: {  	[smem:$0x3FB3] =	sst s5  }
0xe: {  	[smem:$0x3FB4] =	sst s6  }
0xf: {  	[smem:$0x3FB5] =	sst s7  }
0x10: {  	[smem:$0x3FB6] =	sst s8  }
0x11: {  	[smem:$0x3FB7] =	sst s9;
	s0 =	simm.s32 @!p0 $0x0  }
0x12: {  	s1 =	sld [smem:$0x3F9D];
	s0 =	simm.s32 @p0 $0x1  }
0x13: {  	[smem:$0x3FB8] =	sst s0;
	s0 =	simm.s32 @!p1 $0x0  }
0x14: {  	s2 =	sld [smem:$0x3F9C];
	s0 =	simm.s32 @p1 $0x1  }
0x15: {  	[smem:$0x3FB9] =	sst s0;
	s0 =	simm.s32 @!p2 $0x0  }
0x16: {  	s3 =	sld [smem:$0x3FDB];
	s0 =	simm.s32 @p2 $0x1  }
0x17: {  	s4 =	simm.s32 $0x1BF5;
	[smem:$0x3FBB] =	sst s0  }
0x18: {  	s0 =	sld [smem:$0x3F9E];
	_ =	swait.ge [sflag:s4], $0x0  }
0x19: {  	s7 =	sld [smem:$0x3F9F]  }
0x1a: {  	s8 =	sadd.s32 $0xFFFFE003, lr  }
0x1b: {  	s9 =	sadd.s32 $0xFFFFFEF7, lr;
	s5 =	simm.s32 $0xFFFFFFFF;
	p2 =	slt.u32 s8, $0xFFFFF086  }
0x1c: {  	p1 =	slt.u32 s9, $0xF7A;
	s5 =	simm.s32 @!p2 $0x0  }
0x1d: {  	s5 =	simm.s32 @p1 $0x1;
	p0 =	seq.s32 s7, s2  }
0x1e: {  	s7 =	smul.u32 @!p0 $0xF7A, s2;
	p2 =	seq.s32 @!p0 s5, $0x0  }
0x1f: {  	s9 =	smul.u32 $0xF7A, s1;
	s8 =	simm.s32 @!p0 $0x1BF5;
	p2 =	por !p2, p0  }
0x20: {  	[sflag:s8] =	ssyncset.s32 @!p0 $0xFFFFF086;
	s6 =	sadd.s32 @!p0 s3, s7;
	s7 =	simm.s32 @!p0 $0x108  }
0x21: {  	s3 =	sadd.s32 s3, s9;
	s6 =	sadd.s32 @!p0 $0x88, s6;
	s7 =	simm.s32 @p2 $0x1082  }
0x22: {  	[simem:s7], [sflag:s8] =	dma.local @!p0 [hbm:s6], $0xF7A  }
0x23: {  	s9 =	sor.u32 $0xD0000000, s2;
	s6 =	simm.s32 $0x108;
	_ =	swait.ge @!p0 [sflag:s8], $0x0  }
0x24: {  	s3 =	sadd.s32 $0x88, s3;
	s6 =	simm.s32 @!p1 $0x1082;
	[sflag:s4] =	ssyncset.s32 $0xFFFFF086  }
0x25: {  	[simem:s6], [sflag:s4] =	dma.local [hbm:s3], $0xF7A  }
0x26: {  	[smem:$0x3F9F] =	sst s1;
	(tag) =	ssettag s2;
	_ =	strace s9  }
0x27: {  	s1 =	sld [smem:$0x3FAF]  }
0x28: {  	s2 =	sld [smem:$0x3FB0]  }
0x29: {  	s4 =	sld [smem:$0x3FB2]  }
0x2a: {  	p0 =	seq.s32 s5, $0x0;
	s5 =	sld [smem:$0x3FB3]  }
0x2b: {  	s6 =	sld [smem:$0x3FB4]  }
0x2c: {  	s7 =	sld [smem:$0x3FB5]  }
0x2d: {  	s3 =	simm.s32 $0x108;
	s8 =	sld [smem:$0x3FB6]  }
0x2e: {  	s3 =	simm.s32 @!p0 $0x1082;
	s9 =	sld [smem:$0x3FB7]  }
0x2f: {  	lr =	sadd.s32 s0, s3;
	s0 =	sld [smem:$0x3FAE]  }
0x30: {  	s3 =	sld [smem:$0x3FB1]  }
0x31: {  	[smem:$0x3FBA] =	sst s10  }
0x32: {  	s10 =	sld [smem:$0x3FB8];
	_ =	sdelay $0x3  }
0x33: {  	p0 =	seq.s32 s10, $0x1;
	s10 =	sld [smem:$0x3FBA];
	_ =	sdelay $0x3  }
0x34: {  	[smem:$0x3FBA] =	sst s10  }
0x35: {  	s10 =	sld [smem:$0x3FB9];
	_ =	sdelay $0x3  }
0x36: {  	p1 =	seq.s32 s10, $0x1;
	s10 =	sld [smem:$0x3FBA];
	_ =	sdelay $0x3  }
0x37: {  	[smem:$0x3FBA] =	sst s10  }
0x38: {  	s10 =	sld [smem:$0x3FBB]  }
0x39: {  	_ = 	snop;
	(pc) =	sbr.ind lr, $3  }
0x3a: {  	_ = 	snop  }
0x3b: {  	_ = 	snop  }
0x3c: {  	p2 =	seq.s32 s10, $0x1;
	s10 =	sld [smem:$0x3FBA]  }
0x3d: {  	_ =	shalt  }
0x3e: {  	_ =	shalt  }
0x3f: {  	_ =	shalt  }
0x40: {  	_ =	shalt  }
0x41: {  	_ =	shalt  }
0x42: {  	_ =	shalt  }
0x43: {  	_ =	shalt  }
0x44: {  	_ =	shalt  }
0x45: {  	_ =	shalt  }
0x46: {  	_ =	shalt  }
0x47: {  	_ =	shalt  }
0x48: {  	_ =	shalt  }
0x49: {  	_ =	shalt  }
0x4a: {  	_ =	shalt  }
0x4b: {  	_ =	shalt  }
0x4c: {  	_ =	shalt  }
0x4d: {  	_ =	shalt  }
0x4e: {  	_ =	shalt  }
0x4f: {  	_ =	shalt  }
0x50: {  	_ =	shalt  }
0x51: {  	_ =	shalt  }
0x52: {  	_ =	shalt  }
0x53: {  	_ =	shalt  }
0x54: {  	_ =	shalt  }
0x55: {  	_ =	shalt  }
0x56: {  	_ =	shalt  }
0x57: {  	_ =	shalt  }
0x58: {  	_ =	shalt  }
0x59: {  	_ =	shalt  }
0x5a: {  	_ =	shalt  }
0x5b: {  	_ =	shalt  }
0x5c: {  	_ =	shalt  }
0x5d: {  	_ =	shalt  }
0x5e: {  	_ =	shalt  }
0x5f: {  	_ =	shalt  }
0x60: {  	_ =	shalt  }
0x61: {  	_ =	shalt  }
0x62: {  	_ =	shalt  }
0x63: {  	_ =	shalt  }
0x64: {  	_ =	shalt  }
0x65: {  	_ =	shalt  }
0x66: {  	_ =	shalt  }
0x67: {  	_ =	shalt  }
0x68: {  	_ =	shalt  }
0x69: {  	_ =	shalt  }
0x6a: {  	_ =	shalt  }
0x6b: {  	_ =	shalt  }
0x6c: {  	_ =	shalt  }
0x6d: {  	_ =	shalt  }
0x6e: {  	_ =	shalt  }
0x6f: {  	_ =	shalt  }
0x70: {  	_ =	shalt  }
0x71: {  	_ =	shalt  }
0x72: {  	_ =	shalt  }
0x73: {  	_ =	shalt  }
0x74: {  	_ =	shalt  }
0x75: {  	_ =	shalt  }
0x76: {  	_ =	shalt  }
0x77: {  	_ =	shalt  }
0x78: {  	_ =	shalt  }
0x79: {  	_ =	shalt  }
0x7a: {  	_ =	shalt  }
0x7b: {  	_ =	shalt  }
0x7c: {  	_ =	shalt  }
0x7d: {  	_ =	shalt  }
0x7e: {  	_ =	shalt  }
0x7f: {  	_ =	shalt  }
0x80: {  	_ =	shalt  }
0x81: {  	_ =	shalt  }
0x82: {  	_ =	shalt  }
0x83: {  	_ =	shalt  }
0x84: {  	_ =	shalt  }
0x85: {  	_ =	shalt  }
0x86: {  	_ =	shalt  }
0x87: {  	_ =	shalt  }
.Lfunc_end0:
.L_simem_size_0:
called_computation_lowered:
.L_overlay_start_0:
0x88: {  	s2 =	sld [smem:$0x3FD9]  }
0x89: {  	s3 =	sld [smem:$0x3FFE];
	_ =	sdelay $0x1  }
0x8a: {  	s1 =	srdreg.scid  }
0x8b: {  	s0 =	sand.u32 $0x1, s1  }
0x8c: {  	s14 =	sshll.u32 s0, $0xA;
	s2 =	sadd.s32 s3, s2  }
0x8d: {  	s2 =	sadd.s32 s2, s14  }
0x8e: {  	[smem:$0x3FC6] =	sst s2  }
0x8f: {  	_ = 	snop  }
0x90: {  	s2 =	sld [smem:$0x3FD0];
	_ =	sdelay $0x2  }
0x91: {  	s4 =	simm.s32 $0xA;
	s5 =	simm.s32 $0x10;
	s15 =	sld [smem:$0x3FC8]  }
0x92: {  	[smem:s5], [sflag:s4] =	dma.local [hbm:s2], $0x1  }
0x93: {  	_ =	swait.eq [sflag:s4], $0x1  }
0x94: {  	[sflag:s4] =	ssyncset.done $0x0  }
0x95: {  	[sflag:s4] =	ssyncadd.s32 $0xFFFFFFFF  }
0x96: {  	s16 =	sld [smem:$0x10];
	(tm) =	ssettm $0x1  }
0x97: {  	s17 =	sld [smem:$0x3FFB];
	_ =	sdelay $0x3  }
0x98: {  	_ =	strace s17  }
0x99: {  	s4 =	sld [smem:$0x3FFC];
	_ =	sdelay $0x3  }
0x9a: {  	_ =	strace s4  }
0x9b: {  	s4 =	sld [smem:$0x3FFD];
	_ =	sdelay $0x3  }
0x9c: {  	_ =	strace s4  }
0x9d: {  	_ =	strace $0x8FFFFFFF  }
0x9e: {  	s18 =	sld [smem:$0x3FDB];
	_ =	sdelay $0x1  }
0x9f: {  	s19 =	simm.s32 $_scs_section_size  }
0xa0: {  	s6 =	simm.s32 $_size__tile_overlayer_lowered;
	s7 =	simm.s32 $_tile_overlayer_lowered  }
0xa1: {  	s22 =	simm.s32 $0x1BFF;
	s21 =	sshll.u32 s7, $0x1;
	s4 =	sadd.s32 s19, s18  }
0xa2: {  	s8 =	simm.s32 $0x0;
	s20 =	sshll.u32 s6, $0x1;
	s6 =	sadd.s32 s21, s4  }
0xa3: {  	[timem:s8], [sflag:s22] =	dma.local [hbm:s6], s20  }
0xa4: {  	_ =	swait.ge [sflag:s22], s20  }
0xa5: {  	s5 =	ssub.s32 $0x0, s20;
	[sflag:s22] =	ssyncset.done $0x0  }
0xa6: {  	[sflag:s22] =	ssyncadd.s32 s5;
	_ =	sdelay $0x1  }
0xa7: {  	s23 =	simm.s32 $0x1B8B  }
0xa8: {  	_ =	swait.ge [sflag:s23], $0x1  }
0xa9: {  	[sflag:s23] =	ssyncset.done $0x0  }
0xaa: {  	s25 =	simm.s32 $0x1B8E;
	s24 =	sld [smem:$0x3FFE];
	[sflag:s23] =	ssyncadd.s32 $0xFFFFFFFF  }
0xab: {  	s26 =	simm.s32 $execute0_lowered;
	[smem:$0x3FD2] =	sst s25  }
0xac: {  	s6 =	sshll.u32 s26, $0x1;
	_ =	strace $0x80000046;
	[dreg:$0x1] =	wrdreg $0xFFFFFFFF  }
0xad: {  	s28 =	simm.s32 $_size_execute0_lowered;
	s4 =	sadd.s32 s4, s6;
	[dreg:$0x0] =	wrdreg $0x0  }
0xae: {  	s6 =	sshll.u32 s28, $0x1;
	[dreg:$0x2] =	wrdreg s4  }
0xaf: {  	[dreg:$0x3] =	wrdreg s6  }
0xb0: {  	[dreg:$0x4] =	wrdreg $0xC0  }
0xb1: {  	_ =	task [dreg:s8], $0x5FFFF  }
0xb2: {  	[dreg:$0x1] =	wrdreg $0xFFFFFFFF  }
0xb3: {  	[dreg:$0x0] =	wrdreg $0x60  }
0xb4: {  	[dreg:$0x2] =	wrdreg s15  }
0xb5: {  	[dreg:$0x3] =	wrdreg s24  }
0xb6: {  	[dreg:$0x4] =	wrdreg s16  }
0xb7: {  	[dreg:$0x5] =	wrdreg $0x9  }
0xb8: {  	_ =	task.clear_ibuf [dreg:s8], $0x6FFFF;
	_ =	strace $0x90000046  }
0xb9: {  	s29 =	simm.s32 $0x9;
	_ =	strace $0x80000048  }
0xba: {  	_ =	swait.ge [sflag:s29], $0x1  }
0xbb: {  	[sflag:s29] =	ssyncadd.s32 $0xFFFFFFFF  }
0xbc: {  	_ =	strace $0x90000048  }
0xbd: {  	_ =	sfence  }
0xbe: {  	s30 =	sld [smem:$0x0];
	_ =	sdelay $0x2  }
0xbf: {  	s31 =	sshll.u32 s1, $0xD;
	s1 =	sshrl.u32 s1, $0x2  }
0xc0: {  	s3 =	sand.u32 $0x4000, s31;
	s1 =	sadd.s32 s1, s30  }
0xc1: {  	s0 =	sor.u32 s3, s0;
	s1 =	sshll.u32 s1, $0x11  }
0xc2: {  	s0 =	sor.u32 s1, s0  }
0xc3: {  	s0 =	sadd.s32 $0x8F2B, s0  }
0xc4: {  	[sflag:s0] =	ssyncadd.remote.s32 $0x1  }
0xc5: {  	_ =	sfence.sel $0xFFFF  }
0xc6: {  	[dreg:$0x0] =	wrdreg $0xFFFFFFFF;
	(pc) =	sbr.abs _section_cstart, $3  }
0xc7: {  	[dreg:$0x1] =	wrdreg $0xFFFFFFFF  }
0xc8: {  	_ =	task.clear_ibuf [dreg:s8], $0x2FFFF;
	_ =	strace $0x9FFFFFFF  }
0xc9: {  	(tm) =	ssettm $0x7FFFFFFF  }
tec
execute0_lowered:
.L_overlay_start_1:
0x0: {  	(tag) =	ssettag $0x1  }
0x1: {  	s1 =	rddreg [dreg:$0x0]  }
0x2: {  	s0 =	srdreg.scid;
	s2 =	rddreg [dreg:$0x1]  }
0x3: {  	s3 =	stileid.u32;
	s4 =	rddreg [dreg:$0x2];
	s15 =	simm.s32 $0x2  }
0x4: {  	s17 =	simm.s32 $0x1200;
	s18 =	simm.s32 $0x1A00;
	s19 =	simm.s32 $0x2200  }
0x5: {  	s20 =	simm.s32 $0x2A00;
	s21 =	simm.s32 $0x3200;
	s22 =	simm.s32 $0x3A00  }
0x6: {  	s28 =	simm.s32 $0x5A00;
	s29 =	simm.s32 $0x6200;
	s30 =	simm.s32 $0x6A00  }
0x7: {  	s31 =	simm.s32 $0x7200;
	s8 =	simm.s32 $0x9200;
	s9 =	simm.s32 $0x9A00  }
0x8: {  	s10 =	simm.s32 $0xA200;
	s11 =	simm.s32 $0xAA00;
	s0 =	sand.u32 $0x1, s0  }
0x9: {  	s13 =	simm.s32 $0xBA00;
	s5 =	sshll.u32 s3, $0xA;
	s6 =	sshll.u32 s0, $0x9  }
0xa: {  	s14 =	simm.s32 $0x200;
	s3 =	simm.s32 $0x0;
	s5 =	sor.u32 s6, s5  }
0xb: {  	[smem:$0x7FF] =	sst s3;
	s0 =	ssub.s32 $0x2, s0;
	s6 =	sshrl.u32 s5, $0x3  }
0xc: {  	_ =	strace $0x80000047;
	s5 =	sshll.u32 s5, $0x5;
	s2 =	sadd.s32 s2, s6  }
0xd: {  	s25 =	sshrl.u32 s0, $0x1;
	s4 =	sadd.s32 s4, s5;
	[dreg:$0x4] =	wrdreg s2  }
0xe: {  	s0 =	ssub.s32 s0, s25;
	s23 =	sadd.s32 $0x1000, s4;
	[dreg:$0x8] =	wrdreg s4  }
0xf: {  	s25 =	simm.s32 $0x4A00;
	s24 =	sadd.s32 $0x2000, s4;
	[dreg:$0x5] =	wrdreg s23  }
0x10: {  	v2 =	vlaneseq.u32;
	s5 =	smax.u32 s0, $0x1;
	s26 =	sadd.s32 $0x3000, s4;
	[dreg:$0x6] =	wrdreg s24  }
0x11: {  	vm0 =	vmmov $0xffff;
	v1 =	vshrl.u32 v2, $0x3;
	s6 =	simm.s32 $0x3;
	s4 =	simm.s32 $0x1;
	[dreg:$0x7] =	wrdreg s26  }
0x12: {  	v0 =	vand.u32 $0x7, v2;
	v2 =	vor.u32 $0x8, v2;
	v1 =	vmul.u32 $0x8, v1;
	s24 =	simm.s32 $0x4200;
	s26 =	simm.s32 $0x5200;
	s23 =	simm.s32 $0x8A00  }
.LBB2_1:
0x13: {  	s16 =	rddreg [dreg:$0x4]  }
0x14: {  	[tilespmem:s3], [sflag:$0x3] =	stream.linear.gather [hbm4b:s16+s3], $0x200, $0x38;
	[tilespmem:$0x10200] =	vst v63  }
0x15: {  	_ =	swait.ge [sflag:s6], $0x200  }
0x16: {  	[sflag:s6] =	ssyncset.done $0x0  }
0x17: {  	[sflag:s6] =	ssyncadd.s32 $0xFFFFFE00  }
0x18: {  	v3 =	vld [tilespmem:$0x0];
	_ =	sdelay $0x4  }
0x19: {  	v4 =	vshll.u32 v3, $0x1  }
0x1a: {  	v3 =	vand.u32 $0x7, v3;
	v4 =	vand.u32 $0xFFFFFFF0, v4  }
0x1b: {  	v3 =	vor.u32 v3, v4  }
0x1c: {  	v4 =	vperm.xlane v3, v0;
	_ =	sdelay $0x1  }
0x1d: {  	v3 =	vperm.xlane v3, v2;
	v4 =	vadd.s32 v1, v4;
	_ =	sdelay $0x1  }
0x1e: {  	v3 =	vadd.s32 v1, v3;
	_ =	sdelay $0x1  }
0x1f: {  	s0 =	simm.s32 $0x200  }
0x20: {  	[tilespmem:s0], [sflag:$0x1] =	stream.indirect_vreg.gather [hbm4b:s1+s3], $0x80, v4, vm0, $0xb8;
	[tilespmem:$0x10200] =	vst v63  }
0x21: {  	s16 =	simm.s32 $0xA00  }
0x22: {  	[tilespmem:s16], [sflag:$0x1] =	stream.indirect_vreg.gather [hbm4b:s1+s3], $0x80, v3, vm0, $0xb8;
	[tilespmem:$0x10200] =	vst v63  }
0x23: {  	v3 =	vld [tilespmem:$0x10];
	_ =	sdelay $0x4  }
0x24: {  	v33 =	vshll.u32 v3, $0x1  }
0x25: {  	v3 =	vand.u32 $0x7, v3;
	v4 =	vand.u32 $0xFFFFFFF0, v33  }
0x26: {  	v3 =	vor.u32 v3, v4  }
0x27: {  	v4 =	vperm.xlane v3, v0;
	_ =	sdelay $0x1  }
0x28: {  	v3 =	vperm.xlane v3, v2;
	v4 =	vadd.s32 v1, v4;
	_ =	sdelay $0x1  }
0x29: {  	v3 =	vadd.s32 v1, v3;
	_ =	sdelay $0x2  }
0x2a: {  	[tilespmem:s17], [sflag:$0x1] =	stream.indirect_vreg.gather [hbm4b:s1+s3], $0x80, v4, vm0, $0xb8;
	[tilespmem:$0x10200] =	vst v63  }
0x2b: {  	_ = 	snop  }
0x2c: {  	[tilespmem:s18], [sflag:$0x1] =	stream.indirect_vreg.gather [hbm4b:s1+s3], $0x80, v3, vm0, $0xb8;
	[tilespmem:$0x10200] =	vst v63  }
0x2d: {  	v3 =	vld [tilespmem:$0x20];
	_ =	sdelay $0x4  }
0x2e: {  	v34 =	vshll.u32 v3, $0x1  }
0x2f: {  	v3 =	vand.u32 $0x7, v3;
	v4 =	vand.u32 $0xFFFFFFF0, v34  }
0x30: {  	v3 =	vor.u32 v3, v4  }
0x31: {  	v4 =	vperm.xlane v3, v0;
	_ =	sdelay $0x1  }
0x32: {  	v3 =	vperm.xlane v3, v2;
	v4 =	vadd.s32 v1, v4;
	_ =	sdelay $0x1  }
0x33: {  	v3 =	vadd.s32 v1, v3;
	_ =	sdelay $0x2  }
0x34: {  	[tilespmem:s19], [sflag:$0x1] =	stream.indirect_vreg.gather [hbm4b:s1+s3], $0x80, v4, vm0, $0xb8;
	[tilespmem:$0x10200] =	vst v63  }
0x35: {  	_ = 	snop  }
0x36: {  	[tilespmem:s20], [sflag:$0x1] =	stream.indirect_vreg.gather [hbm4b:s1+s3], $0x80, v3, vm0, $0xb8;
	[tilespmem:$0x10200] =	vst v63  }
0x37: {  	v3 =	vld [tilespmem:$0x30];
	_ =	sdelay $0x4  }
0x38: {  	v35 =	vshll.u32 v3, $0x1  }
0x39: {  	v3 =	vand.u32 $0x7, v3;
	v4 =	vand.u32 $0xFFFFFFF0, v35  }
0x3a: {  	v3 =	vor.u32 v3, v4  }
0x3b: {  	v4 =	vperm.xlane v3, v0;
	_ =	sdelay $0x1  }
0x3c: {  	v3 =	vperm.xlane v3, v2;
	v4 =	vadd.s32 v1, v4;
	_ =	sdelay $0x1  }
0x3d: {  	v3 =	vadd.s32 v1, v3;
	_ =	sdelay $0x2  }
0x3e: {  	[tilespmem:s21], [sflag:$0x1] =	stream.indirect_vreg.gather [hbm4b:s1+s3], $0x80, v4, vm0, $0xb8;
	[tilespmem:$0x10200] =	vst v63  }
0x3f: {  	_ = 	snop  }
0x40: {  	[tilespmem:s22], [sflag:$0x1] =	stream.indirect_vreg.gather [hbm4b:s1+s3], $0x80, v3, vm0, $0xb8;
	[tilespmem:$0x10200] =	vst v63  }
0x41: {  	v3 =	vld [tilespmem:$0x40];
	_ =	sdelay $0x4  }
0x42: {  	v36 =	vshll.u32 v3, $0x1  }
0x43: {  	v3 =	vand.u32 $0x7, v3;
	v4 =	vand.u32 $0xFFFFFFF0, v36  }
0x44: {  	v3 =	vor.u32 v3, v4  }
0x45: {  	v4 =	vperm.xlane v3, v0;
	_ =	sdelay $0x1  }
0x46: {  	v3 =	vperm.xlane v3, v2;
	v4 =	vadd.s32 v1, v4;
	_ =	sdelay $0x1  }
0x47: {  	v3 =	vadd.s32 v1, v3;
	_ =	sdelay $0x2  }
0x48: {  	[tilespmem:s24], [sflag:$0x1] =	stream.indirect_vreg.gather [hbm4b:s1+s3], $0x80, v4, vm0, $0xb8;
	[tilespmem:$0x10200] =	vst v63  }
0x49: {  	_ = 	snop  }
0x4a: {  	[tilespmem:s25], [sflag:$0x1] =	stream.indirect_vreg.gather [hbm4b:s1+s3], $0x80, v3, vm0, $0xb8;
	[tilespmem:$0x10200] =	vst v63  }
0x4b: {  	v3 =	vld [tilespmem:$0x50];
	_ =	sdelay $0x4  }
0x4c: {  	v37 =	vshll.u32 v3, $0x1  }
0x4d: {  	v3 =	vand.u32 $0x7, v3;
	v4 =	vand.u32 $0xFFFFFFF0, v37  }
0x4e: {  	v3 =	vor.u32 v3, v4  }
0x4f: {  	v4 =	vperm.xlane v3, v0;
	_ =	sdelay $0x1  }
0x50: {  	v3 =	vperm.xlane v3, v2;
	v4 =	vadd.s32 v1, v4;
	_ =	sdelay $0x1  }
0x51: {  	v3 =	vadd.s32 v1, v3;
	_ =	sdelay $0x2  }
0x52: {  	[tilespmem:s26], [sflag:$0x1] =	stream.indirect_vreg.gather [hbm4b:s1+s3], $0x80, v4, vm0, $0xb8;
	[tilespmem:$0x10200] =	vst v63  }
0x53: {  	_ = 	snop  }
0x54: {  	[tilespmem:s28], [sflag:$0x1] =	stream.indirect_vreg.gather [hbm4b:s1+s3], $0x80, v3, vm0, $0xb8;
	[tilespmem:$0x10200] =	vst v63  }
0x55: {  	v3 =	vld [tilespmem:$0x60];
	_ =	sdelay $0x4  }
0x56: {  	v38 =	vshll.u32 v3, $0x1  }
0x57: {  	v3 =	vand.u32 $0x7, v3;
	v4 =	vand.u32 $0xFFFFFFF0, v38  }
0x58: {  	v3 =	vor.u32 v3, v4  }
0x59: {  	v4 =	vperm.xlane v3, v0;
	_ =	sdelay $0x1  }
0x5a: {  	v3 =	vperm.xlane v3, v2;
	v4 =	vadd.s32 v1, v4;
	_ =	sdelay $0x1  }
0x5b: {  	v3 =	vadd.s32 v1, v3;
	_ =	sdelay $0x2  }
0x5c: {  	[tilespmem:s29], [sflag:$0x1] =	stream.indirect_vreg.gather [hbm4b:s1+s3], $0x80, v4, vm0, $0xb8;
	[tilespmem:$0x10200] =	vst v63  }
0x5d: {  	_ = 	snop  }
0x5e: {  	[tilespmem:s30], [sflag:$0x1] =	stream.indirect_vreg.gather [hbm4b:s1+s3], $0x80, v3, vm0, $0xb8;
	[tilespmem:$0x10200] =	vst v63  }
0x5f: {  	v3 =	vld [tilespmem:$0x70];
	_ =	sdelay $0x4  }
0x60: {  	v39 =	vshll.u32 v3, $0x1  }
0x61: {  	v3 =	vand.u32 $0x7, v3;
	v4 =	vand.u32 $0xFFFFFFF0, v39  }
0x62: {  	v3 =	vor.u32 v3, v4  }
0x63: {  	v4 =	vperm.xlane v3, v0;
	_ =	sdelay $0x1  }
0x64: {  	v3 =	vperm.xlane v3, v2;
	v4 =	vadd.s32 v1, v4;
	_ =	sdelay $0x1  }
0x65: {  	v3 =	vadd.s32 v1, v3;
	_ =	sdelay $0x2  }
0x66: {  	[tilespmem:s31], [sflag:$0x1] =	stream.indirect_vreg.gather [hbm4b:s1+s3], $0x80, v4, vm0, $0xb8;
	[tilespmem:$0x10200] =	vst v63  }
0x67: {  	s2 =	simm.s32 $0x7A00  }
0x68: {  	[tilespmem:s2], [sflag:$0x1] =	stream.indirect_vreg.gather [hbm4b:s1+s3], $0x80, v3, vm0, $0xb8;
	[tilespmem:$0x10200] =	vst v63  }
0x69: {  	v3 =	vld [tilespmem:$0x80];
	_ =	sdelay $0x4  }
0x6a: {  	v40 =	vshll.u32 v3, $0x1  }
0x6b: {  	v3 =	vand.u32 $0x7, v3;
	v4 =	vand.u32 $0xFFFFFFF0, v40  }
0x6c: {  	v3 =	vor.u32 v3, v4  }
0x6d: {  	v4 =	vperm.xlane v3, v0;
	_ =	sdelay $0x1  }
0x6e: {  	v3 =	vperm.xlane v3, v2;
	v4 =	vadd.s32 v1, v4;
	_ =	sdelay $0x1  }
0x6f: {  	v3 =	vadd.s32 v1, v3;
	_ =	sdelay $0x1  }
0x70: {  	s0 =	simm.s32 $0x8200  }
0x71: {  	[tilespmem:s0], [sflag:$0x2] =	stream.indirect_vreg.gather [hbm4b:s1+s3], $0x80, v4, vm0, $0xb8;
	[tilespmem:$0x10200] =	vst v63  }
0x72: {  	_ = 	snop  }
0x73: {  	[tilespmem:s23], [sflag:$0x2] =	stream.indirect_vreg.gather [hbm4b:s1+s3], $0x80, v3, vm0, $0xb8;
	[tilespmem:$0x10200] =	vst v63  }
0x74: {  	v3 =	vld [tilespmem:$0x90];
	_ =	sdelay $0x4  }
0x75: {  	v41 =	vshll.u32 v3, $0x1  }
0x76: {  	v3 =	vand.u32 $0x7, v3;
	v4 =	vand.u32 $0xFFFFFFF0, v41  }
0x77: {  	v3 =	vor.u32 v3, v4  }
0x78: {  	v4 =	vperm.xlane v3, v0;
	_ =	sdelay $0x1  }
0x79: {  	v3 =	vperm.xlane v3, v2;
	v4 =	vadd.s32 v1, v4;
	_ =	sdelay $0x1  }
0x7a: {  	v3 =	vadd.s32 v1, v3;
	_ =	sdelay $0x2  }
0x7b: {  	[tilespmem:s8], [sflag:$0x2] =	stream.indirect_vreg.gather [hbm4b:s1+s3], $0x80, v4, vm0, $0xb8;
	[tilespmem:$0x10200] =	vst v63  }
0x7c: {  	_ = 	snop  }
0x7d: {  	[tilespmem:s9], [sflag:$0x2] =	stream.indirect_vreg.gather [hbm4b:s1+s3], $0x80, v3, vm0, $0xb8;
	[tilespmem:$0x10200] =	vst v63  }
0x7e: {  	v3 =	vld [tilespmem:$0xA0];
	_ =	sdelay $0x4  }
0x7f: {  	v42 =	vshll.u32 v3, $0x1  }
0x80: {  	v3 =	vand.u32 $0x7, v3;
	v4 =	vand.u32 $0xFFFFFFF0, v42  }
0x81: {  	v3 =	vor.u32 v3, v4  }
0x82: {  	v4 =	vperm.xlane v3, v0;
	_ =	sdelay $0x1  }
0x83: {  	v3 =	vperm.xlane v3, v2;
	v4 =	vadd.s32 v1, v4;
	_ =	sdelay $0x1  }
0x84: {  	v3 =	vadd.s32 v1, v3;
	_ =	sdelay $0x2  }
0x85: {  	[tilespmem:s10], [sflag:$0x2] =	stream.indirect_vreg.gather [hbm4b:s1+s3], $0x80, v4, vm0, $0xb8;
	[tilespmem:$0x10200] =	vst v63  }
0x86: {  	_ = 	snop  }
0x87: {  	[tilespmem:s11], [sflag:$0x2] =	stream.indirect_vreg.gather [hbm4b:s1+s3], $0x80, v3, vm0, $0xb8;
	[tilespmem:$0x10200] =	vst v63  }
0x88: {  	v3 =	vld [tilespmem:$0xB0];
	_ =	sdelay $0x4  }
0x89: {  	v43 =	vshll.u32 v3, $0x1  }
0x8a: {  	v3 =	vand.u32 $0x7, v3;
	v4 =	vand.u32 $0xFFFFFFF0, v43  }
0x8b: {  	v3 =	vor.u32 v3, v4  }
0x8c: {  	v4 =	vperm.xlane v3, v0;
	_ =	sdelay $0x1  }
0x8d: {  	v3 =	vperm.xlane v3, v2;
	v4 =	vadd.s32 v1, v4;
	_ =	sdelay $0x1  }
0x8e: {  	v3 =	vadd.s32 v1, v3;
	_ =	sdelay $0x1  }
0x8f: {  	s7 =	simm.s32 $0xB200  }
0x90: {  	[tilespmem:s7], [sflag:$0x2] =	stream.indirect_vreg.gather [hbm4b:s1+s3], $0x80, v4, vm0, $0xb8;
	[tilespmem:$0x10200] =	vst v63  }
0x91: {  	_ = 	snop  }
0x92: {  	[tilespmem:s13], [sflag:$0x2] =	stream.indirect_vreg.gather [hbm4b:s1+s3], $0x80, v3, vm0, $0xb8;
	[tilespmem:$0x10200] =	vst v63  }
0x93: {  	v3 =	vld [tilespmem:$0xC0];
	_ =	sdelay $0x4  }
0x94: {  	v44 =	vshll.u32 v3, $0x1  }
0x95: {  	v3 =	vand.u32 $0x7, v3;
	v4 =	vand.u32 $0xFFFFFFF0, v44  }
0x96: {  	v3 =	vor.u32 v3, v4  }
0x97: {  	v4 =	vperm.xlane v3, v0;
	_ =	sdelay $0x1  }
0x98: {  	v3 =	vperm.xlane v3, v2;
	v4 =	vadd.s32 v1, v4;
	_ =	sdelay $0x1  }
0x99: {  	v3 =	vadd.s32 v1, v3;
	_ =	sdelay $0x1  }
0x9a: {  	s7 =	simm.s32 $0xC200  }
0x9b: {  	[tilespmem:s7], [sflag:$0x2] =	stream.indirect_vreg.gather [hbm4b:s1+s3], $0x80, v4, vm0, $0xb8;
	[tilespmem:$0x10200] =	vst v63  }
0x9c: {  	s12 =	simm.s32 $0xCA00  }
0x9d: {  	[tilespmem:s12], [sflag:$0x2] =	stream.indirect_vreg.gather [hbm4b:s1+s3], $0x80, v3, vm0, $0xb8;
	[tilespmem:$0x10200] =	vst v63  }
0x9e: {  	v3 =	vld [tilespmem:$0xD0];
	_ =	sdelay $0x4  }
0x9f: {  	v45 =	vshll.u32 v3, $0x1  }
0xa0: {  	v3 =	vand.u32 $0x7, v3;
	v4 =	vand.u32 $0xFFFFFFF0, v45  }
0xa1: {  	v3 =	vor.u32 v3, v4  }
0xa2: {  	v4 =	vperm.xlane v3, v0;
	_ =	sdelay $0x1  }
0xa3: {  	v3 =	vperm.xlane v3, v2;
	v4 =	vadd.s32 v1, v4;
	_ =	sdelay $0x1  }
0xa4: {  	v3 =	vadd.s32 v1, v3;
	_ =	sdelay $0x1  }
0xa5: {  	s12 =	simm.s32 $0xD200  }
0xa6: {  	[tilespmem:s12], [sflag:$0x2] =	stream.indirect_vreg.gather [hbm4b:s1+s3], $0x80, v4, vm0, $0xb8;
	[tilespmem:$0x10200] =	vst v63  }
0xa7: {  	s12 =	simm.s32 $0xDA00  }
0xa8: {  	[tilespmem:s12], [sflag:$0x2] =	stream.indirect_vreg.gather [hbm4b:s1+s3], $0x80, v3, vm0, $0xb8;
	[tilespmem:$0x10200] =	vst v63  }
0xa9: {  	v3 =	vld [tilespmem:$0xE0];
	_ =	sdelay $0x4  }
0xaa: {  	v46 =	vshll.u32 v3, $0x1  }
0xab: {  	v3 =	vand.u32 $0x7, v3;
	v4 =	vand.u32 $0xFFFFFFF0, v46  }
0xac: {  	v3 =	vor.u32 v3, v4  }
0xad: {  	v4 =	vperm.xlane v3, v0;
	_ =	sdelay $0x1  }
0xae: {  	v3 =	vperm.xlane v3, v2;
	v4 =	vadd.s32 v1, v4;
	_ =	sdelay $0x1  }
0xaf: {  	v3 =	vadd.s32 v1, v3;
	_ =	sdelay $0x1  }
0xb0: {  	s12 =	simm.s32 $0xE200  }
0xb1: {  	[tilespmem:s12], [sflag:$0x2] =	stream.indirect_vreg.gather [hbm4b:s1+s3], $0x80, v4, vm0, $0xb8;
	[tilespmem:$0x10200] =	vst v63  }
0xb2: {  	s12 =	simm.s32 $0xEA00  }
0xb3: {  	[tilespmem:s12], [sflag:$0x2] =	stream.indirect_vreg.gather [hbm4b:s1+s3], $0x80, v3, vm0, $0xb8;
	[tilespmem:$0x10200] =	vst v63  }
0xb4: {  	v3 =	vld [tilespmem:$0xF0];
	_ =	sdelay $0x4  }
0xb5: {  	v47 =	vshll.u32 v3, $0x1  }
0xb6: {  	v3 =	vand.u32 $0x7, v3;
	v4 =	vand.u32 $0xFFFFFFF0, v47  }
0xb7: {  	v3 =	vor.u32 v3, v4  }
0xb8: {  	v4 =	vperm.xlane v3, v0;
	_ =	sdelay $0x1  }
0xb9: {  	v3 =	vperm.xlane v3, v2;
	v4 =	vadd.s32 v1, v4;
	_ =	sdelay $0x1  }
0xba: {  	v3 =	vadd.s32 v1, v3;
	_ =	sdelay $0x1  }
0xbb: {  	s12 =	simm.s32 $0xF200  }
0xbc: {  	[tilespmem:s12], [sflag:$0x2] =	stream.indirect_vreg.gather [hbm4b:s1+s3], $0x80, v4, vm0, $0xb8;
	[tilespmem:$0x10200] =	vst v63  }
0xbd: {  	s12 =	simm.s32 $0xFA00  }
0xbe: {  	[tilespmem:s12], [sflag:$0x2] =	stream.indirect_vreg.gather [hbm4b:s1+s3], $0x80, v3, vm0, $0xb8;
	[tilespmem:$0x10200] =	vst v63  }
0xbf: {  	_ =	swait.ge [sflag:s4], $0x8000  }
0xc0: {  	[sflag:s4] =	ssyncset.done $0x0  }
0xc1: {  	s12 =	rddreg [dreg:$0x8];
	[sflag:s4] =	ssyncadd.s32 $0xFFFF8000  }
0xc2: {  	[hbm4b:s12+s3] =	stream.linear.scatter [tilespmem:s14], [sflag:$0x3], $0x8000, $0x38;
	[tilespmem:$0x10200] =	vst v63  }
0xc3: {  	_ =	swait.ge [sflag:s6], $0x8000  }
0xc4: {  	[sflag:s6] =	ssyncset.done $0x0  }
0xc5: {  	[sflag:s6] =	ssyncadd.s32 $0xFFFF8000  }
0xc6: {  	v3 =	vld [tilespmem:$0x100];
	_ =	sdelay $0x4  }
0xc7: {  	v48 =	vshll.u32 v3, $0x1  }
0xc8: {  	v3 =	vand.u32 $0x7, v3;
	v4 =	vand.u32 $0xFFFFFFF0, v48  }
0xc9: {  	v3 =	vor.u32 v3, v4  }
0xca: {  	v4 =	vperm.xlane v3, v0;
	_ =	sdelay $0x1  }
0xcb: {  	v3 =	vperm.xlane v3, v2;
	v4 =	vadd.s32 v1, v4;
	_ =	sdelay $0x1  }
0xcc: {  	v3 =	vadd.s32 v1, v3;
	_ =	sdelay $0x2  }
0xcd: {  	[tilespmem:s14], [sflag:$0x1] =	stream.indirect_vreg.gather [hbm4b:s1+s3], $0x80, v4, vm0, $0xb8;
	[tilespmem:$0x10200] =	vst v63  }
0xce: {  	_ = 	snop  }
0xcf: {  	[tilespmem:s16], [sflag:$0x1] =	stream.indirect_vreg.gather [hbm4b:s1+s3], $0x80, v3, vm0, $0xb8;
	[tilespmem:$0x10200] =	vst v63  }
0xd0: {  	v3 =	vld [tilespmem:$0x110];
	_ =	sdelay $0x4  }
0xd1: {  	v49 =	vshll.u32 v3, $0x1  }
0xd2: {  	v3 =	vand.u32 $0x7, v3;
	v4 =	vand.u32 $0xFFFFFFF0, v49  }
0xd3: {  	v3 =	vor.u32 v3, v4  }
0xd4: {  	v4 =	vperm.xlane v3, v0;
	_ =	sdelay $0x1  }
0xd5: {  	v3 =	vperm.xlane v3, v2;
	v4 =	vadd.s32 v1, v4;
	_ =	sdelay $0x1  }
0xd6: {  	v3 =	vadd.s32 v1, v3;
	_ =	sdelay $0x2  }
0xd7: {  	[tilespmem:s17], [sflag:$0x1] =	stream.indirect_vreg.gather [hbm4b:s1+s3], $0x80, v4, vm0, $0xb8;
	[tilespmem:$0x10200] =	vst v63  }
0xd8: {  	_ = 	snop  }
0xd9: {  	[tilespmem:s18], [sflag:$0x1] =	stream.indirect_vreg.gather [hbm4b:s1+s3], $0x80, v3, vm0, $0xb8;
	[tilespmem:$0x10200] =	vst v63  }
0xda: {  	v3 =	vld [tilespmem:$0x120];
	_ =	sdelay $0x4  }
0xdb: {  	v50 =	vshll.u32 v3, $0x1  }
0xdc: {  	v3 =	vand.u32 $0x7, v3;
	v4 =	vand.u32 $0xFFFFFFF0, v50  }
0xdd: {  	v3 =	vor.u32 v3, v4  }
0xde: {  	v4 =	vperm.xlane v3, v0;
	_ =	sdelay $0x1  }
0xdf: {  	v3 =	vperm.xlane v3, v2;
	v4 =	vadd.s32 v1, v4;
	_ =	sdelay $0x1  }
0xe0: {  	v3 =	vadd.s32 v1, v3;
	_ =	sdelay $0x2  }
0xe1: {  	[tilespmem:s19], [sflag:$0x1] =	stream.indirect_vreg.gather [hbm4b:s1+s3], $0x80, v4, vm0, $0xb8;
	[tilespmem:$0x10200] =	vst v63  }
0xe2: {  	_ = 	snop  }
0xe3: {  	[tilespmem:s20], [sflag:$0x1] =	stream.indirect_vreg.gather [hbm4b:s1+s3], $0x80, v3, vm0, $0xb8;
	[tilespmem:$0x10200] =	vst v63  }
0xe4: {  	v3 =	vld [tilespmem:$0x130];
	_ =	sdelay $0x4  }
0xe5: {  	v51 =	vshll.u32 v3, $0x1  }
0xe6: {  	v3 =	vand.u32 $0x7, v3;
	v4 =	vand.u32 $0xFFFFFFF0, v51  }
0xe7: {  	v3 =	vor.u32 v3, v4  }
0xe8: {  	v4 =	vperm.xlane v3, v0;
	_ =	sdelay $0x1  }
0xe9: {  	v3 =	vperm.xlane v3, v2;
	v4 =	vadd.s32 v1, v4;
	_ =	sdelay $0x1  }
0xea: {  	v3 =	vadd.s32 v1, v3;
	_ =	sdelay $0x2  }
0xeb: {  	[tilespmem:s21], [sflag:$0x1] =	stream.indirect_vreg.gather [hbm4b:s1+s3], $0x80, v4, vm0, $0xb8;
	[tilespmem:$0x10200] =	vst v63  }
0xec: {  	_ = 	snop  }
0xed: {  	[tilespmem:s22], [sflag:$0x1] =	stream.indirect_vreg.gather [hbm4b:s1+s3], $0x80, v3, vm0, $0xb8;
	[tilespmem:$0x10200] =	vst v63  }
0xee: {  	v3 =	vld [tilespmem:$0x140];
	_ =	sdelay $0x4  }
0xef: {  	v52 =	vshll.u32 v3, $0x1  }
0xf0: {  	v3 =	vand.u32 $0x7, v3;
	v4 =	vand.u32 $0xFFFFFFF0, v52  }
0xf1: {  	v3 =	vor.u32 v3, v4  }
0xf2: {  	v4 =	vperm.xlane v3, v0;
	_ =	sdelay $0x1  }
0xf3: {  	v3 =	vperm.xlane v3, v2;
	v4 =	vadd.s32 v1, v4;
	_ =	sdelay $0x1  }
0xf4: {  	v3 =	vadd.s32 v1, v3;
	_ =	sdelay $0x2  }
0xf5: {  	[tilespmem:s24], [sflag:$0x1] =	stream.indirect_vreg.gather [hbm4b:s1+s3], $0x80, v4, vm0, $0xb8;
	[tilespmem:$0x10200] =	vst v63  }
0xf6: {  	_ = 	snop  }
0xf7: {  	[tilespmem:s25], [sflag:$0x1] =	stream.indirect_vreg.gather [hbm4b:s1+s3], $0x80, v3, vm0, $0xb8;
	[tilespmem:$0x10200] =	vst v63  }
0xf8: {  	v3 =	vld [tilespmem:$0x150];
	_ =	sdelay $0x4  }
0xf9: {  	v53 =	vshll.u32 v3, $0x1  }
0xfa: {  	v3 =	vand.u32 $0x7, v3;
	v4 =	vand.u32 $0xFFFFFFF0, v53  }
0xfb: {  	v3 =	vor.u32 v3, v4  }
0xfc: {  	v4 =	vperm.xlane v3, v0;
	_ =	sdelay $0x1  }
0xfd: {  	v3 =	vperm.xlane v3, v2;
	v4 =	vadd.s32 v1, v4;
	_ =	sdelay $0x1  }
0xfe: {  	v3 =	vadd.s32 v1, v3;
	_ =	sdelay $0x2  }
0xff: {  	[tilespmem:s26], [sflag:$0x1] =	stream.indirect_vreg.gather [hbm4b:s1+s3], $0x80, v4, vm0, $0xb8;
	[tilespmem:$0x10200] =	vst v63  }
0x100: {  	_ = 	snop  }
0x101: {  	[tilespmem:s28], [sflag:$0x1] =	stream.indirect_vreg.gather [hbm4b:s1+s3], $0x80, v3, vm0, $0xb8;
	[tilespmem:$0x10200] =	vst v63  }
0x102: {  	v3 =	vld [tilespmem:$0x160];
	_ =	sdelay $0x4  }
0x103: {  	v54 =	vshll.u32 v3, $0x1  }
0x104: {  	v3 =	vand.u32 $0x7, v3;
	v4 =	vand.u32 $0xFFFFFFF0, v54  }
0x105: {  	v3 =	vor.u32 v3, v4  }
0x106: {  	v4 =	vperm.xlane v3, v0;
	_ =	sdelay $0x1  }
0x107: {  	v3 =	vperm.xlane v3, v2;
	v4 =	vadd.s32 v1, v4;
	_ =	sdelay $0x1  }
0x108: {  	v3 =	vadd.s32 v1, v3;
	_ =	sdelay $0x2  }
0x109: {  	[tilespmem:s29], [sflag:$0x1] =	stream.indirect_vreg.gather [hbm4b:s1+s3], $0x80, v4, vm0, $0xb8;
	[tilespmem:$0x10200] =	vst v63  }
0x10a: {  	_ = 	snop  }
0x10b: {  	[tilespmem:s30], [sflag:$0x1] =	stream.indirect_vreg.gather [hbm4b:s1+s3], $0x80, v3, vm0, $0xb8;
	[tilespmem:$0x10200] =	vst v63  }
0x10c: {  	v3 =	vld [tilespmem:$0x170];
	_ =	sdelay $0x4  }
0x10d: {  	v55 =	vshll.u32 v3, $0x1  }
0x10e: {  	v3 =	vand.u32 $0x7, v3;
	v4 =	vand.u32 $0xFFFFFFF0, v55  }
0x10f: {  	v3 =	vor.u32 v3, v4  }
0x110: {  	v4 =	vperm.xlane v3, v0;
	_ =	sdelay $0x1  }
0x111: {  	v3 =	vperm.xlane v3, v2;
	v4 =	vadd.s32 v1, v4;
	_ =	sdelay $0x1  }
0x112: {  	v3 =	vadd.s32 v1, v3;
	_ =	sdelay $0x2  }
0x113: {  	[tilespmem:s31], [sflag:$0x1] =	stream.indirect_vreg.gather [hbm4b:s1+s3], $0x80, v4, vm0, $0xb8;
	[tilespmem:$0x10200] =	vst v63  }
0x114: {  	_ = 	snop  }
0x115: {  	[tilespmem:s2], [sflag:$0x1] =	stream.indirect_vreg.gather [hbm4b:s1+s3], $0x80, v3, vm0, $0xb8;
	[tilespmem:$0x10200] =	vst v63  }
0x116: {  	_ =	swait.ge [sflag:s15], $0x8000  }
0x117: {  	[sflag:s15] =	ssyncset.done $0x0  }
0x118: {  	s2 =	rddreg [dreg:$0x5];
	[sflag:s15] =	ssyncadd.s32 $0xFFFF8000  }
0x119: {  	[hbm4b:s2+s3] =	stream.linear.scatter [tilespmem:s0], [sflag:$0x3], $0x8000, $0x38;
	[tilespmem:$0x10200] =	vst v63  }
0x11a: {  	_ =	swait.ge [sflag:s6], $0x8000  }
0x11b: {  	[sflag:s6] =	ssyncset.done $0x0  }
0x11c: {  	[sflag:s6] =	ssyncadd.s32 $0xFFFF8000  }
0x11d: {  	v3 =	vld [tilespmem:$0x180];
	_ =	sdelay $0x4  }
0x11e: {  	v56 =	vshll.u32 v3, $0x1  }
0x11f: {  	v3 =	vand.u32 $0x7, v3;
	v4 =	vand.u32 $0xFFFFFFF0, v56  }
0x120: {  	v3 =	vor.u32 v3, v4  }
0x121: {  	v4 =	vperm.xlane v3, v0;
	_ =	sdelay $0x1  }
0x122: {  	v3 =	vperm.xlane v3, v2;
	v4 =	vadd.s32 v1, v4;
	_ =	sdelay $0x1  }
0x123: {  	v3 =	vadd.s32 v1, v3;
	_ =	sdelay $0x2  }
0x124: {  	[tilespmem:s0], [sflag:$0x2] =	stream.indirect_vreg.gather [hbm4b:s1+s3], $0x80, v4, vm0, $0xb8;
	[tilespmem:$0x10200] =	vst v63  }
0x125: {  	_ = 	snop  }
0x126: {  	[tilespmem:s23], [sflag:$0x2] =	stream.indirect_vreg.gather [hbm4b:s1+s3], $0x80, v3, vm0, $0xb8;
	[tilespmem:$0x10200] =	vst v63  }
0x127: {  	v3 =	vld [tilespmem:$0x190];
	_ =	sdelay $0x4  }
0x128: {  	v57 =	vshll.u32 v3, $0x1  }
0x129: {  	v3 =	vand.u32 $0x7, v3;
	v4 =	vand.u32 $0xFFFFFFF0, v57  }
0x12a: {  	v3 =	vor.u32 v3, v4  }
0x12b: {  	v4 =	vperm.xlane v3, v0;
	_ =	sdelay $0x1  }
0x12c: {  	v3 =	vperm.xlane v3, v2;
	v4 =	vadd.s32 v1, v4;
	_ =	sdelay $0x1  }
0x12d: {  	v3 =	vadd.s32 v1, v3;
	_ =	sdelay $0x2  }
0x12e: {  	[tilespmem:s8], [sflag:$0x2] =	stream.indirect_vreg.gather [hbm4b:s1+s3], $0x80, v4, vm0, $0xb8;
	[tilespmem:$0x10200] =	vst v63  }
0x12f: {  	_ = 	snop  }
0x130: {  	[tilespmem:s9], [sflag:$0x2] =	stream.indirect_vreg.gather [hbm4b:s1+s3], $0x80, v3, vm0, $0xb8;
	[tilespmem:$0x10200] =	vst v63  }
0x131: {  	v3 =	vld [tilespmem:$0x1A0];
	_ =	sdelay $0x4  }
0x132: {  	v58 =	vshll.u32 v3, $0x1  }
0x133: {  	v3 =	vand.u32 $0x7, v3;
	v4 =	vand.u32 $0xFFFFFFF0, v58  }
0x134: {  	v3 =	vor.u32 v3, v4  }
0x135: {  	v4 =	vperm.xlane v3, v0;
	_ =	sdelay $0x1  }
0x136: {  	v3 =	vperm.xlane v3, v2;
	v4 =	vadd.s32 v1, v4;
	_ =	sdelay $0x1  }
0x137: {  	v3 =	vadd.s32 v1, v3;
	_ =	sdelay $0x2  }
0x138: {  	[tilespmem:s10], [sflag:$0x2] =	stream.indirect_vreg.gather [hbm4b:s1+s3], $0x80, v4, vm0, $0xb8;
	[tilespmem:$0x10200] =	vst v63  }
0x139: {  	_ = 	snop  }
0x13a: {  	[tilespmem:s11], [sflag:$0x2] =	stream.indirect_vreg.gather [hbm4b:s1+s3], $0x80, v3, vm0, $0xb8;
	[tilespmem:$0x10200] =	vst v63  }
0x13b: {  	v3 =	vld [tilespmem:$0x1B0];
	_ =	sdelay $0x4  }
0x13c: {  	v59 =	vshll.u32 v3, $0x1  }
0x13d: {  	v3 =	vand.u32 $0x7, v3;
	v4 =	vand.u32 $0xFFFFFFF0, v59  }
0x13e: {  	v3 =	vor.u32 v3, v4  }
0x13f: {  	v4 =	vperm.xlane v3, v0;
	_ =	sdelay $0x1  }
0x140: {  	v3 =	vperm.xlane v3, v2;
	v4 =	vadd.s32 v1, v4;
	_ =	sdelay $0x1  }
0x141: {  	v3 =	vadd.s32 v1, v3;
	_ =	sdelay $0x1  }
0x142: {  	s16 =	simm.s32 $0xB200  }
0x143: {  	[tilespmem:s16], [sflag:$0x2] =	stream.indirect_vreg.gather [hbm4b:s1+s3], $0x80, v4, vm0, $0xb8;
	[tilespmem:$0x10200] =	vst v63  }
0x144: {  	_ = 	snop  }
0x145: {  	[tilespmem:s13], [sflag:$0x2] =	stream.indirect_vreg.gather [hbm4b:s1+s3], $0x80, v3, vm0, $0xb8;
	[tilespmem:$0x10200] =	vst v63  }
0x146: {  	v3 =	vld [tilespmem:$0x1C0];
	_ =	sdelay $0x4  }
0x147: {  	v60 =	vshll.u32 v3, $0x1  }
0x148: {  	v3 =	vand.u32 $0x7, v3;
	v4 =	vand.u32 $0xFFFFFFF0, v60  }
0x149: {  	v3 =	vor.u32 v3, v4  }
0x14a: {  	v4 =	vperm.xlane v3, v0;
	_ =	sdelay $0x1  }
0x14b: {  	v3 =	vperm.xlane v3, v2;
	v4 =	vadd.s32 v1, v4;
	_ =	sdelay $0x1  }
0x14c: {  	v3 =	vadd.s32 v1, v3;
	_ =	sdelay $0x2  }
0x14d: {  	[tilespmem:s7], [sflag:$0x2] =	stream.indirect_vreg.gather [hbm4b:s1+s3], $0x80, v4, vm0, $0xb8;
	[tilespmem:$0x10200] =	vst v63  }
0x14e: {  	s16 =	simm.s32 $0xCA00  }
0x14f: {  	[tilespmem:s16], [sflag:$0x2] =	stream.indirect_vreg.gather [hbm4b:s1+s3], $0x80, v3, vm0, $0xb8;
	[tilespmem:$0x10200] =	vst v63  }
0x150: {  	v3 =	vld [tilespmem:$0x1D0];
	_ =	sdelay $0x4  }
0x151: {  	v61 =	vshll.u32 v3, $0x1  }
0x152: {  	v3 =	vand.u32 $0x7, v3;
	v4 =	vand.u32 $0xFFFFFFF0, v61  }
0x153: {  	v3 =	vor.u32 v3, v4  }
0x154: {  	v4 =	vperm.xlane v3, v0;
	_ =	sdelay $0x1  }
0x155: {  	v3 =	vperm.xlane v3, v2;
	v4 =	vadd.s32 v1, v4;
	_ =	sdelay $0x1  }
0x156: {  	v3 =	vadd.s32 v1, v3;
	_ =	sdelay $0x1  }
0x157: {  	s7 =	simm.s32 $0xD200  }
0x158: {  	[tilespmem:s7], [sflag:$0x2] =	stream.indirect_vreg.gather [hbm4b:s1+s3], $0x80, v4, vm0, $0xb8;
	[tilespmem:$0x10200] =	vst v63  }
0x159: {  	s16 =	simm.s32 $0xDA00  }
0x15a: {  	[tilespmem:s16], [sflag:$0x2] =	stream.indirect_vreg.gather [hbm4b:s1+s3], $0x80, v3, vm0, $0xb8;
	[tilespmem:$0x10200] =	vst v63  }
0x15b: {  	v3 =	vld [tilespmem:$0x1E0];
	_ =	sdelay $0x4  }
0x15c: {  	v62 =	vshll.u32 v3, $0x1  }
0x15d: {  	v3 =	vand.u32 $0x7, v3;
	v4 =	vand.u32 $0xFFFFFFF0, v62  }
0x15e: {  	v3 =	vor.u32 v3, v4  }
0x15f: {  	v4 =	vperm.xlane v3, v0;
	_ =	sdelay $0x1  }
0x160: {  	v3 =	vperm.xlane v3, v2;
	v4 =	vadd.s32 v1, v4;
	_ =	sdelay $0x1  }
0x161: {  	v3 =	vadd.s32 v1, v3;
	_ =	sdelay $0x1  }
0x162: {  	s7 =	simm.s32 $0xE200  }
0x163: {  	[tilespmem:s7], [sflag:$0x2] =	stream.indirect_vreg.gather [hbm4b:s1+s3], $0x80, v4, vm0, $0xb8;
	[tilespmem:$0x10200] =	vst v63  }
0x164: {  	s16 =	simm.s32 $0xEA00  }
0x165: {  	[tilespmem:s16], [sflag:$0x2] =	stream.indirect_vreg.gather [hbm4b:s1+s3], $0x80, v3, vm0, $0xb8;
	[tilespmem:$0x10200] =	vst v63  }
0x166: {  	v3 =	vld [tilespmem:$0x1F0];
	_ =	sdelay $0x4  }
0x167: {  	v63 =	vshll.u32 v3, $0x1  }
0x168: {  	v3 =	vand.u32 $0x7, v3;
	v4 =	vand.u32 $0xFFFFFFF0, v63  }
0x169: {  	v3 =	vor.u32 v3, v4  }
0x16a: {  	v4 =	vperm.xlane v3, v0;
	_ =	sdelay $0x1  }
0x16b: {  	v3 =	vperm.xlane v3, v2;
	v4 =	vadd.s32 v1, v4;
	_ =	sdelay $0x1  }
0x16c: {  	v3 =	vadd.s32 v1, v3;
	_ =	sdelay $0x1  }
0x16d: {  	s7 =	simm.s32 $0xF200  }
0x16e: {  	[tilespmem:s7], [sflag:$0x2] =	stream.indirect_vreg.gather [hbm4b:s1+s3], $0x80, v4, vm0, $0xb8;
	[tilespmem:$0x10200] =	vst v63  }
0x16f: {  	s16 =	simm.s32 $0xFA00  }
0x170: {  	[tilespmem:s16], [sflag:$0x2] =	stream.indirect_vreg.gather [hbm4b:s1+s3], $0x80, v3, vm0, $0xb8;
	[tilespmem:$0x10200] =	vst v63  }
0x171: {  	_ =	swait.ge [sflag:s4], $0x8000  }
0x172: {  	[sflag:s4] =	ssyncset.done $0x0  }
0x173: {  	s12 =	simm.s32 $0x200;
	s7 =	rddreg [dreg:$0x6];
	[sflag:s4] =	ssyncadd.s32 $0xFFFF8000  }
0x174: {  	[hbm4b:s7+s3] =	stream.linear.scatter [tilespmem:s12], [sflag:$0x3], $0x8000, $0x38;
	[tilespmem:$0x10200] =	vst v63  }
0x175: {  	_ =	swait.ge [sflag:s6], $0x8000  }
0x176: {  	[sflag:s6] =	ssyncset.done $0x0  }
0x177: {  	[sflag:s6] =	ssyncadd.s32 $0xFFFF8000  }
0x178: {  	_ =	swait.ge [sflag:s15], $0x8000  }
0x179: {  	p0 =	sne.s32 s5, $0x1;
	[sflag:s15] =	ssyncset.done $0x0  }
.Ltmp0:
0x17a: {  	s12 =	rddreg [dreg:$0x7];
	[sflag:s15] =	ssyncadd.s32 $0xFFFF8000;
	(pc) =	sbr.rel @p0 .LBB2_1-.Ltmp0, $4  }
0x17b: {  	[hbm4b:s12+s3] =	stream.linear.scatter [tilespmem:s0], [sflag:$0x3], $0x8000, $0x38;
	[tilespmem:$0x10200] =	vst v63  }
0x17c: {  	_ =	swait.ge [sflag:s6], $0x8000  }
0x17d: {  	[sflag:s6] =	ssyncset.done $0x0  }
0x17e: {  	s5 =	sadd.s32 $0xFFFFFFFF, s5;
	[sflag:s6] =	ssyncadd.s32 $0xFFFF8000  }
0x17f: {  	_ =	sfence.sel $0x180000  }
0x180: {  	[bflag:$0x0] =	sbarrier.arrive $0xFFFF  }
0x181: {  	_ =	strace $0x90000047  }
0x182: {  	s0 =	stileid.u32;
	[bflag:$0x2] =	sbarrier.arrive $0xFFFF  }
0x183: {  	p0 =	sne.s32 s0, $0x0;
	s0 =	rddreg [dreg:$0x3]  }
0x184: {  	s0 =	sadd.s32 @!p0 $0x100000, s0  }
0x185: {  	[sflag:s0] =	ssyncadd.tile.s32 @!p0 $0x1;
	_ =	shalt  }
.Lfunc_end2:
_tile_overlayer_lowered:
.L_overlay_start_2:
0x186: {  	(tag) =	ssettag $0x2  }
0x187: {  	s0 =	rddreg [dreg:$0x0];
	s2 =	stileid.u32  }
0x188: {  	s1 =	rddreg [dreg:$0x1];
	p0 =	sne.s32 s2, $0x0  }
0x189: {  	s3 =	rddreg [dreg:$0x2];
	[bflag:$0x3] =	sbarrier.arrive $0xFFFF;
	s2 =	simm.s32 @!p0 $0x1C03  }
0x18a: {  	[timem:s3], [sflag:s2] =	dma.local @!p0 [hbm:s0], s1  }
0x18b: {  	s0 =	simm.s32 @!p0 $0x3  }
0x18c: {  	_ =	swait.ge @!p0 [sflag:s0], s1  }
0x18d: {  	s1 =	ssub.s32 @!p0 $0x0, s1;
	[sflag:s0] =	ssyncset.done @!p0 $0x0  }
0x18e: {  	[sflag:s0] =	ssyncadd.s32 @!p0 s1  }
0x18f: {  	[bflag:$0x3] =	sbarrier.arrive $0xFFFF  }
0x190: {  	_ =	shalt  }

</sc_bundles>
